<compile_context>
chip_gen: v7x
topology: tpu7x:2x2x1
jax: 0.10.2.dev20260603
libtpu: 0.0.44.dev20260713+nightly
codegen_flags: <defaults>
</compile_context>

<pallas_src>
import functools

import jax
import jax.numpy as jnp
from jax import lax
from jax.experimental import pallas as pl
from jax.experimental.pallas import tpu as pltpu
from jax.experimental.pallas import tpu_sc as plsc

B, N, H, G, K = 4, 4096, 128, 256, 16
NUM_CLASSES, PARAM_DIM = 50, 16
RB1 = 256
RB3 = 256
RB4 = 1024
SC_NC, SC_NS = 2, 16
SC_CHUNK = 128

def _dot(a, b):
  return jnp.dot(a, b, preferred_element_type=jnp.float32)


def _relu(x):
  return jnp.maximum(x, 0.0)


def _k1_body(x6, pts_row, pts_all, w1, c1, w2, c2, wab, c_lm1, wb,
             pf_o, p1_o, p2_o, gidx_o):
  b = pl.program_id(0)
  x = x6[0]
  h = _relu(_dot(x, w1[...]) + c1[...])
  pf = _relu(_dot(h, w2[...]) + c2[...])
  pf_o[0] = pf
  p1_o[0] = _dot(pf, wab[...]) + c_lm1[...]
  p2_o[0] = _dot(pf, wb[...])

  pr = pts_row[0]
  pa = pts_all[0]
  dot_rn = _dot(pr, pa)
  sqr = jnp.sum(pr * pr, axis=1, keepdims=True)
  sqa = jnp.sum(pa * pa, axis=0, keepdims=True)
  d2 = sqr + sqa - 2.0 * dot_rn
  rowbase = pl.program_id(1) * RB1
  rid = lax.broadcasted_iota(jnp.int32, (RB1, 1), 0) + rowbase
  coli = lax.broadcasted_iota(jnp.int32, (RB1, N), 1)
  d2 = jnp.where(coli == rid, jnp.inf, d2)
  half = N // 2
  s0, s1 = d2[:, :half], d2[:, half:]
  g0 = lax.broadcasted_iota(jnp.int32, (RB1, half), 1).astype(jnp.float32)
  g1 = g0 + float(half)
  swap = s1 < s0
  v = jnp.minimum(s0, s1)
  w = jnp.maximum(s0, s1)
  iv = jnp.where(swap, g1, g0)
  iw = jnp.where(swap, g0, g1)
  cols = []
  for t in range(K):
    m = jnp.min(v, axis=1, keepdims=True)
    cand = jnp.where(v <= m, iv, jnp.inf)
    a = jnp.min(cand, axis=1, keepdims=True)
    cols.append(a)
    if t + 1 < K:
      hit = iv == a
      v = jnp.where(hit, w, v)
      iv = jnp.where(hit, iw, iv)
      w = jnp.where(hit, jnp.inf, w)
  idx16 = jnp.concatenate([c.T for c in cols], axis=0).astype(jnp.int32)
  gidx_o[0] = idx16 + b * N


def _k1_call(x6, points, pts_t, W_pe1, b_pe1, W_pe2, b_pe2, Wab, b_lm1, Wb):
  nb_blocks = N // RB1
  full = lambda s: pl.BlockSpec(s, lambda b, n: (0,) * len(s))
  out = (
      jax.ShapeDtypeStruct((1, N, H), jnp.float32),
      jax.ShapeDtypeStruct((1, N, H), jnp.float32),
      jax.ShapeDtypeStruct((1, N, H), jnp.float32),
      jax.ShapeDtypeStruct((1, K, N), jnp.int32),
  )
  return pl.pallas_call(
      _k1_body,
      grid=(1, nb_blocks),
      in_specs=[
          pl.BlockSpec((1, RB1, 6), lambda b, n: (b, n, 0)),
          pl.BlockSpec((1, RB1, 3), lambda b, n: (b, n, 0)),
          pl.BlockSpec((1, 3, N), lambda b, n: (b, 0, 0)),
          full((6, H)), full((1, H)),
          full((H, H)), full((1, H)),
          full((H, H)), full((1, H)),
          full((H, H)),
      ],
      out_specs=[
          pl.BlockSpec((1, RB1, H), lambda b, n: (b, n, 0)),
          pl.BlockSpec((1, RB1, H), lambda b, n: (b, n, 0)),
          pl.BlockSpec((1, RB1, H), lambda b, n: (b, n, 0)),
          pl.BlockSpec((1, K, RB1), lambda b, n: (b, 0, n)),
      ],
      out_shape=out,
      compiler_params=pltpu.CompilerParams(
          dimension_semantics=("parallel", "parallel")),
  )(x6, points, pts_t, W_pe1, b_pe1, W_pe2, b_pe2, Wab, b_lm1, Wb)


def _sc_gather(gidx_flat, table):
  total = K * N
  nw = SC_NC * SC_NS
  per_w = total // nw
  iters = per_w // SC_CHUNK
  mesh = plsc.VectorSubcoreMesh(
      core_axis_name="c", subcore_axis_name="s",
      num_cores=SC_NC, num_subcores=SC_NS)

  @functools.partial(
      pl.kernel,
      out_type=jax.ShapeDtypeStruct((total, H), jnp.float32),
      mesh=mesh,
      scratch_types=[
          pltpu.VMEM((SC_CHUNK,), jnp.int32),
          pltpu.VMEM((SC_CHUNK, H), jnp.float32),
          pltpu.SemaphoreType.DMA,
      ],
  )
  def gather_k(idx_hbm, table_hbm, out_hbm, idx_v, rows_v, sem):
    wid = lax.axis_index("s") * SC_NC + lax.axis_index("c")
    base = wid * per_w

    def body(i, carry):
      off = base + i * SC_CHUNK
      pltpu.sync_copy(idx_hbm.at[pl.ds(off, SC_CHUNK)], idx_v)
      pltpu.async_copy(table_hbm.at[idx_v], rows_v, sem).wait()
      pltpu.sync_copy(rows_v, out_hbm.at[pl.ds(off, SC_CHUNK)])
      return carry

    lax.fori_loop(0, iters, body, 0)

  return gather_k(gidx_flat, table)


NA = N // RB3
NB = N // RB4


def _k34_body(p1, pf_a, nb, pf_b,
              wlm2, clm2, wcp_a, wcp_b, ccp,
              wc_pf, wc_lf, wc_g, cc1, wc2, cc2,
              wp_pf, wp_lf, wp_g, cp1, wp2, cp2,
              logits_o, pp_o, lf_s, gmax_s):
  n = pl.program_id(1)

  @pl.when(n < NA)
  def _phase_a():
    p1b = p1[0]
    e = _relu(p1b[None] + nb[0])
    h2 = _relu(_dot(e.reshape(K * RB3, H), wlm2[...]) + clm2[...])
    parts = [h2[k * RB3:(k + 1) * RB3] for k in range(K)]
    while len(parts) > 1:
      parts = [jnp.maximum(parts[i], parts[i + 1])
               for i in range(0, len(parts), 2)]
    acc = parts[0]
    lf_s[pl.ds(n * RB3, RB3)] = acc
    ctx = _relu(_dot(pf_a[0], wcp_a[...]) + _dot(acc, wcp_b[...]) + ccp[...])
    pm = jnp.max(ctx, axis=0, keepdims=True)

    @pl.when(n == 0)
    def _():
      gmax_s[...] = pm

    @pl.when(n != 0)
    def _():
      gmax_s[...] = jnp.maximum(gmax_s[...], pm)

  @pl.when(n >= NA)
  def _phase_b():
    m = n - NA
    g = gmax_s[...]
    gc = _dot(g, wc_g[...]) + cc1[...]
    gp = _dot(g, wp_g[...]) + cp1[...]
    pfb = pf_b[0]
    lfb = lf_s[pl.ds(m * RB4, RB4)]
    hc = _relu(_dot(pfb, wc_pf[...]) + _dot(lfb, wc_lf[...]) + gc)
    logits_o[0] = _dot(hc, wc2[...]) + cc2[...]
    hp = _relu(_dot(pfb, wp_pf[...]) + _dot(lfb, wp_lf[...]) + gp)
    pp_o[0] = _dot(hp, wp2[...]) + cp2[...]


def _k34_call(p1, pf, nb, W_lm2, b_lm2, Wcp_a, Wcp_b, b_cp,
              Wc_pf, Wc_lf, Wc_g, b_c1, W_c2, b_c2,
              Wp_pf, Wp_lf, Wp_g, b_p1, W_p2, b_p2):
  full = lambda s: pl.BlockSpec(s, lambda b, n: (0,) * len(s))
  ia = lambda b, n: (b, jnp.minimum(n, NA - 1), 0)
  ib = lambda b, n: (b, jnp.maximum(n - NA, 0), 0)
  ia_nb = lambda b, n: (b, 0, jnp.minimum(n, NA - 1), 0)
  out = (
      jax.ShapeDtypeStruct((1, N, NUM_CLASSES), jnp.float32),
      jax.ShapeDtypeStruct((1, N, PARAM_DIM), jnp.float32),
  )
  return pl.pallas_call(
      _k34_body,
      grid=(1, NA + NB),
      in_specs=[
          pl.BlockSpec((1, RB3, H), ia),
          pl.BlockSpec((1, RB3, H), ia),
          pl.BlockSpec((1, K, RB3, H), ia_nb),
          pl.BlockSpec((1, RB4, H), ib),
          full((H, H)), full((1, H)),
          full((H, G)), full((H, G)), full((1, G)),
          full((H, H)), full((H, H)), full((G, H)), full((1, H)),
          full((H, NUM_CLASSES)), full((1, NUM_CLASSES)),
          full((H, H)), full((H, H)), full((G, H)), full((1, H)),
          full((H, PARAM_DIM)), full((1, PARAM_DIM)),
      ],
      out_specs=[
          pl.BlockSpec((1, RB4, NUM_CLASSES), ib),
          pl.BlockSpec((1, RB4, PARAM_DIM), ib),
      ],
      out_shape=out,
      scratch_shapes=[
          pltpu.VMEM((N, H), jnp.float32),
          pltpu.VMEM((1, G), jnp.float32),
      ],
      compiler_params=pltpu.CompilerParams(
          dimension_semantics=("parallel", "arbitrary")),
  )(p1, pf, nb, pf,
    W_lm2, b_lm2, Wcp_a, Wcp_b, b_cp,
    Wc_pf, Wc_lf, Wc_g, b_c1, W_c2, b_c2,
    Wp_pf, Wp_lf, Wp_g, b_p1, W_p2, b_p2)


def kernel(points, normals, W_pe1, b_pe1, W_pe2, b_pe2, W_lm1, b_lm1,
           W_lm2, b_lm2, W_cp, b_cp, W_c1, b_c1, W_c2, b_c2,
           W_p1, b_p1, W_p2, b_p2):
  r = lambda v: v.reshape(1, -1)
  x6 = jnp.concatenate([points, normals], axis=-1)
  pts_t = jnp.transpose(points, (0, 2, 1))
  Wa, Wb = W_lm1[:H], W_lm1[H:]

  k1s = [
      _k1_call(x6[b:b + 1], points[b:b + 1], pts_t[b:b + 1],
               W_pe1, r(b_pe1), W_pe2, r(b_pe2), Wa - Wb, r(b_lm1), Wb)
      for b in range(B)
  ]
  nbs = [
      _sc_gather(gidx.reshape(-1), p2.reshape(N, H)).reshape(1, K, N, H)
      for (_, _, p2, gidx) in k1s
  ]
  lgs, pps = [], []
  for b in range(B):
    pf, p1, _, _ = k1s[b]
    lg, pp = _k34_call(
        p1, pf, nbs[b], W_lm2, r(b_lm2), W_cp[:H], W_cp[H:], r(b_cp),
        W_c1[:H], W_c1[H:2 * H], W_c1[2 * H:], r(b_c1), W_c2, r(b_c2),
        W_p1[:H], W_p1[H:2 * H], W_p1[2 * H:], r(b_p1), W_p2, r(b_p2))
    lgs.append(lg)
    pps.append(pp)
  return (jnp.concatenate(lgs, axis=0), jnp.concatenate(pps, axis=0))

# --- scband reference (transcript-rebuilt; emitter-appended) ---
"""Pipeline reference for scband-local-point-model-67242007986287 (READ-ONLY COPY).

The authoritative reference and input builder live on the scoring server;
editing this copy changes nothing except your own understanding.
"""

import jax, jax.numpy as jnp
import numpy as np

B, N, H, G, K = 4, 4096, 128, 256, 16
NUM_CLASSES, PARAM_DIM = 50, 16
FUSED = H + H + G


def _lin(x, W, b):
    return x @ W + b


def _knn(points, k):
    sq = jnp.sum(points * points, axis=-1)
    d2 = sq[:, :, None] + sq[:, None, :] - 2.0 * jnp.einsum('bnd,bmd->bnm', points, points)
    _, idx = jax.lax.top_k(-d2, k + 1)
    return idx[:, :, 1:]


def _gather(feat, idx):
    # feat: [B, N, H], idx: [B, N, K] -> [B, N, K, H]
    return jax.vmap(lambda f, i: f[i])(feat, idx)


def setup_inputs(seed: int = 0) -> dict:
    key = jax.random.key(seed)
    ks = jax.random.split(key, 24)

    def w(k, i, o):
        return jax.random.normal(k, (i, o), jnp.float32) * (1.0 / np.sqrt(i))

    def b(k, o):
        return jax.random.normal(k, (o,), jnp.float32) * 0.01

    points = jax.random.normal(ks[0], (B, N, 3), jnp.float32)
    nm = jax.random.normal(ks[1], (B, N, 3), jnp.float32)
    normals = nm / (jnp.linalg.norm(nm, axis=-1, keepdims=True) + 1e-8)
    return {
        'points': points,
        'normals': normals,
        'W_pe1': w(ks[2], 6, H), 'b_pe1': b(ks[3], H),
        'W_pe2': w(ks[4], H, H), 'b_pe2': b(ks[5], H),
        'W_lm1': w(ks[6], 2 * H, H), 'b_lm1': b(ks[7], H),
        'W_lm2': w(ks[8], H, H), 'b_lm2': b(ks[9], H),
        'W_cp': w(ks[10], 2 * H, G), 'b_cp': b(ks[11], G),
        'W_c1': w(ks[12], FUSED, H), 'b_c1': b(ks[13], H),
        'W_c2': w(ks[14], H, NUM_CLASSES), 'b_c2': b(ks[15], NUM_CLASSES),
        'W_p1': w(ks[16], FUSED, H), 'b_p1': b(ks[17], H),
        'W_p2': w(ks[18], H, PARAM_DIM), 'b_p2': b(ks[19], PARAM_DIM),
    }


def reference(points, normals, W_pe1, b_pe1, W_pe2, b_pe2, W_lm1, b_lm1, W_lm2, b_lm2, W_cp, b_cp, W_c1, b_c1, W_c2, b_c2, W_p1, b_p1, W_p2, b_p2):
    inputs = jnp.concatenate([points, normals], axis=-1)
    pf = jax.nn.relu(_lin(jax.nn.relu(_lin(inputs, W_pe1, b_pe1)), W_pe2, b_pe2))
    idx = _knn(jax.lax.stop_gradient(points), K)
    nb = _gather(pf, idx)                                   # [B, N, K, H]
    cf = jnp.broadcast_to(pf[:, :, None, :], nb.shape)      # [B, N, K, H]
    edge = jnp.concatenate([cf, nb - cf], axis=-1)          # [B, N, K, 2H]
    lf = jax.nn.relu(_lin(jax.nn.relu(_lin(edge, W_lm1, b_lm1)), W_lm2, b_lm2))
    lf = jnp.max(lf, axis=2)                                # [B, N, H]
    ctx = jax.nn.relu(_lin(jnp.concatenate([pf, lf], axis=-1), W_cp, b_cp))
    gf = jnp.max(ctx, axis=1, keepdims=True)
    gf = jnp.broadcast_to(gf, (pf.shape[0], pf.shape[1], gf.shape[-1]))
    fused = jnp.concatenate([pf, lf, gf], axis=-1)
    logits = _lin(jax.nn.relu(_lin(fused, W_c1, b_c1)), W_c2, b_c2)
    param_pred = _lin(jax.nn.relu(_lin(fused, W_p1, b_p1)), W_p2, b_p2)
    return (logits, param_pred)

if __name__ == "__main__":
    import jax
    _d = setup_inputs()
    print(jax.jit(kernel)(*tuple(_d.values())))

</pallas_src>

<mosaic_0001>
#map = affine_map<(d0, d1) -> (0)>
#map1 = affine_map<(d0, d1) -> (0, 0)>
module attributes {stable_mosaic.version = 14 : i64} {
  func.func @gather_k(%arg0: i32, %arg1: i32, %arg2: memref<65536xi32, #tpu.memory_space<hbm>>, %arg3: memref<4096x128xf32, #tpu.memory_space<hbm>>, %arg4: memref<65536x128xf32, #tpu.memory_space<hbm>>, %arg5: memref<128xi32, #tpu.memory_space<vmem>>, %arg6: memref<128x128xf32, #tpu.memory_space<vmem>>, %arg7: memref<!tpu.dma_semaphore, #tpu.memory_space<semaphore_mem>>) attributes {dimension_semantics = [#tpu.dimension_semantics<core_parallel>, #tpu.dimension_semantics<subcore_parallel>], iteration_bounds = array<i64: 2, 16>, scalar_prefetch = 0 : i64, scratch_operands = 3 : i64, tpu.core_type = #tpu.core_type<sc_vector_subcore>, window_params = [{transform_indices = #map}, {transform_indices = #map1}, {transform_indices = #map1}]} {
    %mul3A = arith.constant 2 : i32
    %mul3A_0 = arith.muli %arg1, %mul3A : i32
    %add3A = arith.addi %mul3A_0, %arg0 : i32
    %mul3A_1 = arith.constant 2048 : i32
    %mul3A_2 = arith.muli %add3A, %mul3A_1 : i32
    %scan3A = arith.constant 0 : i32
    %scan3A_3 = arith.constant 0 : i32
    %scan3A_4 = arith.constant 16 : i32
    %scan3A_5 = arith.addi %scan3A_3, %scan3A_4 : i32
    %scan3A_6 = arith.constant 1 : i32
    scf.for %scan3A_8 = %scan3A_3 to %scan3A_5 step %scan3A_6  : i32 {
      %mul3A_9 = arith.constant 128 : i32
      %mul3A_10 = arith.muli %scan3A_8, %mul3A_9 : i32
      %add3A_11 = arith.addi %mul3A_2, %mul3A_10 : i32
      "tpu.region"() ({
        %run_scoped3A = tpu.sem_alloc : memref<!tpu.dma_semaphore, #tpu.memory_space<semaphore_mem>>
        %dma_start3A_16 = tpu.memref_slice %arg2[%add3A_11] : memref<65536xi32, #tpu.memory_space<hbm>> -> memref<128xi32, #tpu.memory_space<hbm>>
        %dma_start3A_17 = tpu.memref_slice %arg2[%add3A_11] : memref<65536xi32, #tpu.memory_space<hbm>> -> memref<128xi32, #tpu.memory_space<hbm>>
        tpu.enqueue_dma source(%dma_start3A_17 : memref<128xi32, #tpu.memory_space<hbm>>) target(%arg5 : memref<128xi32, #tpu.memory_space<vmem>>) target_semaphore(%run_scoped3A : memref<!tpu.dma_semaphore, #tpu.memory_space<semaphore_mem>>)
        %dma_wait3A_18 = tpu.memref_slice %arg2[%add3A_11] : memref<65536xi32, #tpu.memory_space<hbm>> -> memref<128xi32, #tpu.memory_space<hbm>>
        %dma_wait3A_19 = tpu.memref_slice %arg2[%add3A_11] : memref<65536xi32, #tpu.memory_space<hbm>> -> memref<128xi32, #tpu.memory_space<hbm>>
        tpu.wait_dma2 semaphore(%run_scoped3A : memref<!tpu.dma_semaphore, #tpu.memory_space<semaphore_mem>>) src(%dma_wait3A_19 : memref<128xi32, #tpu.memory_space<hbm>>) dst(%arg5 : memref<128xi32, #tpu.memory_space<vmem>>)
        tpu.yield
      }) : () -> ()
      %dma_start3A = arith.constant 0 : i32
      %dma_start3A_12 = arith.constant 0 : i32
      %dma_start3A_13 = tpu.memref_slice %arg3[%dma_start3A, %dma_start3A_12] : memref<4096x128xf32, #tpu.memory_space<hbm>> -> memref<4096x128xf32, #tpu.memory_space<hbm>>
      tpu.enqueue_indirect_dma source(%dma_start3A_13 : memref<4096x128xf32, #tpu.memory_space<hbm>>) target(%arg6 : memref<128x128xf32, #tpu.memory_space<vmem>>) offsets(%arg5 : memref<128xi32, #tpu.memory_space<vmem>>) semaphore(%arg7 : memref<!tpu.dma_semaphore, #tpu.memory_space<semaphore_mem>>)
      %dma_wait3A = arith.constant 0 : i32
      %dma_wait3A_14 = arith.constant 0 : i32
      %dma_wait3A_15 = tpu.memref_slice %arg3[%dma_wait3A, %dma_wait3A_14] : memref<4096x128xf32, #tpu.memory_space<hbm>> -> memref<4096x128xf32, #tpu.memory_space<hbm>>
      tpu.wait_indirect_dma semaphore(%arg7 : memref<!tpu.dma_semaphore, #tpu.memory_space<semaphore_mem>>) src(%dma_wait3A_15 : memref<4096x128xf32, #tpu.memory_space<hbm>>) dst(%arg6 : memref<128x128xf32, #tpu.memory_space<vmem>>)
      "tpu.region"() ({
        %run_scoped3A = tpu.sem_alloc : memref<!tpu.dma_semaphore, #tpu.memory_space<semaphore_mem>>
        %dma_start3A_16 = arith.constant 0 : i32
        %dma_start3A_17 = tpu.memref_slice %arg4[%add3A_11, %dma_start3A_16] : memref<65536x128xf32, #tpu.memory_space<hbm>> -> memref<128x128xf32, #tpu.memory_space<hbm>>
        %dma_start3A_18 = arith.constant 0 : i32
        %dma_start3A_19 = tpu.memref_slice %arg4[%add3A_11, %dma_start3A_18] : memref<65536x128xf32, #tpu.memory_space<hbm>> -> memref<128x128xf32, #tpu.memory_space<hbm>>
        tpu.enqueue_dma source(%arg6 : memref<128x128xf32, #tpu.memory_space<vmem>>) target(%dma_start3A_19 : memref<128x128xf32, #tpu.memory_space<hbm>>) target_semaphore(%run_scoped3A : memref<!tpu.dma_semaphore, #tpu.memory_space<semaphore_mem>>)
        %dma_wait3A_20 = arith.constant 0 : i32
        %dma_wait3A_21 = tpu.memref_slice %arg4[%add3A_11, %dma_wait3A_20] : memref<65536x128xf32, #tpu.memory_space<hbm>> -> memref<128x128xf32, #tpu.memory_space<hbm>>
        %dma_wait3A_22 = arith.constant 0 : i32
        %dma_wait3A_23 = tpu.memref_slice %arg4[%add3A_11, %dma_wait3A_22] : memref<65536x128xf32, #tpu.memory_space<hbm>> -> memref<128x128xf32, #tpu.memory_space<hbm>>
        tpu.wait_dma2 semaphore(%run_scoped3A : memref<!tpu.dma_semaphore, #tpu.memory_space<semaphore_mem>>) src(%arg6 : memref<128x128xf32, #tpu.memory_space<vmem>>) dst(%dma_wait3A_23 : memref<128x128xf32, #tpu.memory_space<hbm>>)
        tpu.yield
      }) : () -> ()
    }
    %scan3A_7 = arith.constant 16 : i32
    return
  }
}

#map = affine_map<(d0, d1) -> (0)>
#map1 = affine_map<(d0, d1) -> (0, 0)>
module attributes {stable_mosaic.version = 14 : i64} {
  func.func @gather_k(%arg0: i32, %arg1: i32, %arg2: memref<65536xi32, #tpu.memory_space<hbm>>, %arg3: memref<4096x128xf32, #tpu.memory_space<hbm>>, %arg4: memref<65536x128xf32, #tpu.memory_space<hbm>>, %arg5: memref<128xi32, #tpu.memory_space<vmem>>, %arg6: memref<128x128xf32, #tpu.memory_space<vmem>>, %arg7: memref<!tpu.dma_semaphore, #tpu.memory_space<semaphore_mem>>) attributes {dimension_semantics = [#tpu.dimension_semantics<core_parallel>, #tpu.dimension_semantics<subcore_parallel>], iteration_bounds = array<i64: 2, 16>, scalar_prefetch = 0 : i64, scratch_operands = 3 : i64, tpu.core_type = #tpu.core_type<sc_vector_subcore>, window_params = [{transform_indices = #map}, {transform_indices = #map1}, {transform_indices = #map1}]} {
    %mul3A = arith.constant 2 : i32
    %mul3A_0 = arith.muli %arg1, %mul3A : i32
    %add3A = arith.addi %mul3A_0, %arg0 : i32
    %mul3A_1 = arith.constant 2048 : i32
    %mul3A_2 = arith.muli %add3A, %mul3A_1 : i32
    %scan3A = arith.constant 0 : i32
    %scan3A_3 = arith.constant 0 : i32
    %scan3A_4 = arith.constant 16 : i32
    %scan3A_5 = arith.addi %scan3A_3, %scan3A_4 : i32
    %scan3A_6 = arith.constant 1 : i32
    scf.for %scan3A_8 = %scan3A_3 to %scan3A_5 step %scan3A_6  : i32 {
      %mul3A_9 = arith.constant 128 : i32
      %mul3A_10 = arith.muli %scan3A_8, %mul3A_9 : i32
      %add3A_11 = arith.addi %mul3A_2, %mul3A_10 : i32
      "tpu.region"() ({
        %run_scoped3A = tpu.sem_alloc : memref<!tpu.dma_semaphore, #tpu.memory_space<semaphore_mem>>
        %dma_start3A_16 = tpu.memref_slice %arg2[%add3A_11] : memref<65536xi32, #tpu.memory_space<hbm>> -> memref<128xi32, #tpu.memory_space<hbm>>
        %dma_start3A_17 = tpu.memref_slice %arg2[%add3A_11] : memref<65536xi32, #tpu.memory_space<hbm>> -> memref<128xi32, #tpu.memory_space<hbm>>
        tpu.enqueue_dma source(%dma_start3A_17 : memref<128xi32, #tpu.memory_space<hbm>>) target(%arg5 : memref<128xi32, #tpu.memory_space<vmem>>) target_semaphore(%run_scoped3A : memref<!tpu.dma_semaphore, #tpu.memory_space<semaphore_mem>>)
        %dma_wait3A_18 = tpu.memref_slice %arg2[%add3A_11] : memref<65536xi32, #tpu.memory_space<hbm>> -> memref<128xi32, #tpu.memory_space<hbm>>
        %dma_wait3A_19 = tpu.memref_slice %arg2[%add3A_11] : memref<65536xi32, #tpu.memory_space<hbm>> -> memref<128xi32, #tpu.memory_space<hbm>>
        tpu.wait_dma2 semaphore(%run_scoped3A : memref<!tpu.dma_semaphore, #tpu.memory_space<semaphore_mem>>) src(%dma_wait3A_19 : memref<128xi32, #tpu.memory_space<hbm>>) dst(%arg5 : memref<128xi32, #tpu.memory_space<vmem>>)
        tpu.yield
      }) : () -> ()
      %dma_start3A = arith.constant 0 : i32
      %dma_start3A_12 = arith.constant 0 : i32
      %dma_start3A_13 = tpu.memref_slice %arg3[%dma_start3A, %dma_start3A_12] : memref<4096x128xf32, #tpu.memory_space<hbm>> -> memref<4096x128xf32, #tpu.memory_space<hbm>>
      tpu.enqueue_indirect_dma source(%dma_start3A_13 : memref<4096x128xf32, #tpu.memory_space<hbm>>) target(%arg6 : memref<128x128xf32, #tpu.memory_space<vmem>>) offsets(%arg5 : memref<128xi32, #tpu.memory_space<vmem>>) semaphore(%arg7 : memref<!tpu.dma_semaphore, #tpu.memory_space<semaphore_mem>>)
      %dma_wait3A = arith.constant 0 : i32
      %dma_wait3A_14 = arith.constant 0 : i32
      %dma_wait3A_15 = tpu.memref_slice %arg3[%dma_wait3A, %dma_wait3A_14] : memref<4096x128xf32, #tpu.memory_space<hbm>> -> memref<4096x128xf32, #tpu.memory_space<hbm>>
      tpu.wait_indirect_dma semaphore(%arg7 : memref<!tpu.dma_semaphore, #tpu.memory_space<semaphore_mem>>) src(%dma_wait3A_15 : memref<4096x128xf32, #tpu.memory_space<hbm>>) dst(%arg6 : memref<128x128xf32, #tpu.memory_space<vmem>>)
      "tpu.region"() ({
        %run_scoped3A = tpu.sem_alloc : memref<!tpu.dma_semaphore, #tpu.memory_space<semaphore_mem>>
        %dma_start3A_16 = arith.constant 0 : i32
        %dma_start3A_17 = tpu.memref_slice %arg4[%add3A_11, %dma_start3A_16] : memref<65536x128xf32, #tpu.memory_space<hbm>> -> memref<128x128xf32, #tpu.memory_space<hbm>>
        %dma_start3A_18 = arith.constant 0 : i32
        %dma_start3A_19 = tpu.memref_slice %arg4[%add3A_11, %dma_start3A_18] : memref<65536x128xf32, #tpu.memory_space<hbm>> -> memref<128x128xf32, #tpu.memory_space<hbm>>
        tpu.enqueue_dma source(%arg6 : memref<128x128xf32, #tpu.memory_space<vmem>>) target(%dma_start3A_19 : memref<128x128xf32, #tpu.memory_space<hbm>>) target_semaphore(%run_scoped3A : memref<!tpu.dma_semaphore, #tpu.memory_space<semaphore_mem>>)
        %dma_wait3A_20 = arith.constant 0 : i32
        %dma_wait3A_21 = tpu.memref_slice %arg4[%add3A_11, %dma_wait3A_20] : memref<65536x128xf32, #tpu.memory_space<hbm>> -> memref<128x128xf32, #tpu.memory_space<hbm>>
        %dma_wait3A_22 = arith.constant 0 : i32
        %dma_wait3A_23 = tpu.memref_slice %arg4[%add3A_11, %dma_wait3A_22] : memref<65536x128xf32, #tpu.memory_space<hbm>> -> memref<128x128xf32, #tpu.memory_space<hbm>>
        tpu.wait_dma2 semaphore(%run_scoped3A : memref<!tpu.dma_semaphore, #tpu.memory_space<semaphore_mem>>) src(%arg6 : memref<128x128xf32, #tpu.memory_space<vmem>>) dst(%dma_wait3A_23 : memref<128x128xf32, #tpu.memory_space<hbm>>)
        tpu.yield
      }) : () -> ()
    }
    %scan3A_7 = arith.constant 16 : i32
    return
  }
}

#map = affine_map<(d0, d1) -> (0)>
#map1 = affine_map<(d0, d1) -> (0, 0)>
module attributes {stable_mosaic.version = 14 : i64} {
  func.func @gather_k(%arg0: i32, %arg1: i32, %arg2: memref<65536xi32, #tpu.memory_space<hbm>>, %arg3: memref<4096x128xf32, #tpu.memory_space<hbm>>, %arg4: memref<65536x128xf32, #tpu.memory_space<hbm>>, %arg5: memref<128xi32, #tpu.memory_space<vmem>>, %arg6: memref<128x128xf32, #tpu.memory_space<vmem>>, %arg7: memref<!tpu.dma_semaphore, #tpu.memory_space<semaphore_mem>>) attributes {dimension_semantics = [#tpu.dimension_semantics<core_parallel>, #tpu.dimension_semantics<subcore_parallel>], iteration_bounds = array<i64: 2, 16>, scalar_prefetch = 0 : i64, scratch_operands = 3 : i64, tpu.core_type = #tpu.core_type<sc_vector_subcore>, window_params = [{transform_indices = #map}, {transform_indices = #map1}, {transform_indices = #map1}]} {
    %mul3A = arith.constant 2 : i32
    %mul3A_0 = arith.muli %arg1, %mul3A : i32
    %add3A = arith.addi %mul3A_0, %arg0 : i32
    %mul3A_1 = arith.constant 2048 : i32
    %mul3A_2 = arith.muli %add3A, %mul3A_1 : i32
    %scan3A = arith.constant 0 : i32
    %scan3A_3 = arith.constant 0 : i32
    %scan3A_4 = arith.constant 16 : i32
    %scan3A_5 = arith.addi %scan3A_3, %scan3A_4 : i32
    %scan3A_6 = arith.constant 1 : i32
    scf.for %scan3A_8 = %scan3A_3 to %scan3A_5 step %scan3A_6  : i32 {
      %mul3A_9 = arith.constant 128 : i32
      %mul3A_10 = arith.muli %scan3A_8, %mul3A_9 : i32
      %add3A_11 = arith.addi %mul3A_2, %mul3A_10 : i32
      "tpu.region"() ({
        %run_scoped3A = tpu.sem_alloc : memref<!tpu.dma_semaphore, #tpu.memory_space<semaphore_mem>>
        %dma_start3A_16 = tpu.memref_slice %arg2[%add3A_11] : memref<65536xi32, #tpu.memory_space<hbm>> -> memref<128xi32, #tpu.memory_space<hbm>>
        %dma_start3A_17 = tpu.memref_slice %arg2[%add3A_11] : memref<65536xi32, #tpu.memory_space<hbm>> -> memref<128xi32, #tpu.memory_space<hbm>>
        tpu.enqueue_dma source(%dma_start3A_17 : memref<128xi32, #tpu.memory_space<hbm>>) target(%arg5 : memref<128xi32, #tpu.memory_space<vmem>>) target_semaphore(%run_scoped3A : memref<!tpu.dma_semaphore, #tpu.memory_space<semaphore_mem>>)
        %dma_wait3A_18 = tpu.memref_slice %arg2[%add3A_11] : memref<65536xi32, #tpu.memory_space<hbm>> -> memref<128xi32, #tpu.memory_space<hbm>>
        %dma_wait3A_19 = tpu.memref_slice %arg2[%add3A_11] : memref<65536xi32, #tpu.memory_space<hbm>> -> memref<128xi32, #tpu.memory_space<hbm>>
        tpu.wait_dma2 semaphore(%run_scoped3A : memref<!tpu.dma_semaphore, #tpu.memory_space<semaphore_mem>>) src(%dma_wait3A_19 : memref<128xi32, #tpu.memory_space<hbm>>) dst(%arg5 : memref<128xi32, #tpu.memory_space<vmem>>)
        tpu.yield
      }) : () -> ()
      %dma_start3A = arith.constant 0 : i32
      %dma_start3A_12 = arith.constant 0 : i32
      %dma_start3A_13 = tpu.memref_slice %arg3[%dma_start3A, %dma_start3A_12] : memref<4096x128xf32, #tpu.memory_space<hbm>> -> memref<4096x128xf32, #tpu.memory_space<hbm>>
      tpu.enqueue_indirect_dma source(%dma_start3A_13 : memref<4096x128xf32, #tpu.memory_space<hbm>>) target(%arg6 : memref<128x128xf32, #tpu.memory_space<vmem>>) offsets(%arg5 : memref<128xi32, #tpu.memory_space<vmem>>) semaphore(%arg7 : memref<!tpu.dma_semaphore, #tpu.memory_space<semaphore_mem>>)
      %dma_wait3A = arith.constant 0 : i32
      %dma_wait3A_14 = arith.constant 0 : i32
      %dma_wait3A_15 = tpu.memref_slice %arg3[%dma_wait3A, %dma_wait3A_14] : memref<4096x128xf32, #tpu.memory_space<hbm>> -> memref<4096x128xf32, #tpu.memory_space<hbm>>
      tpu.wait_indirect_dma semaphore(%arg7 : memref<!tpu.dma_semaphore, #tpu.memory_space<semaphore_mem>>) src(%dma_wait3A_15 : memref<4096x128xf32, #tpu.memory_space<hbm>>) dst(%arg6 : memref<128x128xf32, #tpu.memory_space<vmem>>)
      "tpu.region"() ({
        %run_scoped3A = tpu.sem_alloc : memref<!tpu.dma_semaphore, #tpu.memory_space<semaphore_mem>>
        %dma_start3A_16 = arith.constant 0 : i32
        %dma_start3A_17 = tpu.memref_slice %arg4[%add3A_11, %dma_start3A_16] : memref<65536x128xf32, #tpu.memory_space<hbm>> -> memref<128x128xf32, #tpu.memory_space<hbm>>
        %dma_start3A_18 = arith.constant 0 : i32
        %dma_start3A_19 = tpu.memref_slice %arg4[%add3A_11, %dma_start3A_18] : memref<65536x128xf32, #tpu.memory_space<hbm>> -> memref<128x128xf32, #tpu.memory_space<hbm>>
        tpu.enqueue_dma source(%arg6 : memref<128x128xf32, #tpu.memory_space<vmem>>) target(%dma_start3A_19 : memref<128x128xf32, #tpu.memory_space<hbm>>) target_semaphore(%run_scoped3A : memref<!tpu.dma_semaphore, #tpu.memory_space<semaphore_mem>>)
        %dma_wait3A_20 = arith.constant 0 : i32
        %dma_wait3A_21 = tpu.memref_slice %arg4[%add3A_11, %dma_wait3A_20] : memref<65536x128xf32, #tpu.memory_space<hbm>> -> memref<128x128xf32, #tpu.memory_space<hbm>>
        %dma_wait3A_22 = arith.constant 0 : i32
        %dma_wait3A_23 = tpu.memref_slice %arg4[%add3A_11, %dma_wait3A_22] : memref<65536x128xf32, #tpu.memory_space<hbm>> -> memref<128x128xf32, #tpu.memory_space<hbm>>
        tpu.wait_dma2 semaphore(%run_scoped3A : memref<!tpu.dma_semaphore, #tpu.memory_space<semaphore_mem>>) src(%arg6 : memref<128x128xf32, #tpu.memory_space<vmem>>) dst(%dma_wait3A_23 : memref<128x128xf32, #tpu.memory_space<hbm>>)
        tpu.yield
      }) : () -> ()
    }
    %scan3A_7 = arith.constant 16 : i32
    return
  }
}

#map = affine_map<(d0, d1) -> (0)>
#map1 = affine_map<(d0, d1) -> (0, 0)>
module attributes {stable_mosaic.version = 14 : i64} {
  func.func @gather_k(%arg0: i32, %arg1: i32, %arg2: memref<65536xi32, #tpu.memory_space<hbm>>, %arg3: memref<4096x128xf32, #tpu.memory_space<hbm>>, %arg4: memref<65536x128xf32, #tpu.memory_space<hbm>>, %arg5: memref<128xi32, #tpu.memory_space<vmem>>, %arg6: memref<128x128xf32, #tpu.memory_space<vmem>>, %arg7: memref<!tpu.dma_semaphore, #tpu.memory_space<semaphore_mem>>) attributes {dimension_semantics = [#tpu.dimension_semantics<core_parallel>, #tpu.dimension_semantics<subcore_parallel>], iteration_bounds = array<i64: 2, 16>, scalar_prefetch = 0 : i64, scratch_operands = 3 : i64, tpu.core_type = #tpu.core_type<sc_vector_subcore>, window_params = [{transform_indices = #map}, {transform_indices = #map1}, {transform_indices = #map1}]} {
    %mul3A = arith.constant 2 : i32
    %mul3A_0 = arith.muli %arg1, %mul3A : i32
    %add3A = arith.addi %mul3A_0, %arg0 : i32
    %mul3A_1 = arith.constant 2048 : i32
    %mul3A_2 = arith.muli %add3A, %mul3A_1 : i32
    %scan3A = arith.constant 0 : i32
    %scan3A_3 = arith.constant 0 : i32
    %scan3A_4 = arith.constant 16 : i32
    %scan3A_5 = arith.addi %scan3A_3, %scan3A_4 : i32
    %scan3A_6 = arith.constant 1 : i32
    scf.for %scan3A_8 = %scan3A_3 to %scan3A_5 step %scan3A_6  : i32 {
      %mul3A_9 = arith.constant 128 : i32
      %mul3A_10 = arith.muli %scan3A_8, %mul3A_9 : i32
      %add3A_11 = arith.addi %mul3A_2, %mul3A_10 : i32
      "tpu.region"() ({
        %run_scoped3A = tpu.sem_alloc : memref<!tpu.dma_semaphore, #tpu.memory_space<semaphore_mem>>
        %dma_start3A_16 = tpu.memref_slice %arg2[%add3A_11] : memref<65536xi32, #tpu.memory_space<hbm>> -> memref<128xi32, #tpu.memory_space<hbm>>
        %dma_start3A_17 = tpu.memref_slice %arg2[%add3A_11] : memref<65536xi32, #tpu.memory_space<hbm>> -> memref<128xi32, #tpu.memory_space<hbm>>
        tpu.enqueue_dma source(%dma_start3A_17 : memref<128xi32, #tpu.memory_space<hbm>>) target(%arg5 : memref<128xi32, #tpu.memory_space<vmem>>) target_semaphore(%run_scoped3A : memref<!tpu.dma_semaphore, #tpu.memory_space<semaphore_mem>>)
        %dma_wait3A_18 = tpu.memref_slice %arg2[%add3A_11] : memref<65536xi32, #tpu.memory_space<hbm>> -> memref<128xi32, #tpu.memory_space<hbm>>
        %dma_wait3A_19 = tpu.memref_slice %arg2[%add3A_11] : memref<65536xi32, #tpu.memory_space<hbm>> -> memref<128xi32, #tpu.memory_space<hbm>>
        tpu.wait_dma2 semaphore(%run_scoped3A : memref<!tpu.dma_semaphore, #tpu.memory_space<semaphore_mem>>) src(%dma_wait3A_19 : memref<128xi32, #tpu.memory_space<hbm>>) dst(%arg5 : memref<128xi32, #tpu.memory_space<vmem>>)
        tpu.yield
      }) : () -> ()
      %dma_start3A = arith.constant 0 : i32
      %dma_start3A_12 = arith.constant 0 : i32
      %dma_start3A_13 = tpu.memref_slice %arg3[%dma_start3A, %dma_start3A_12] : memref<4096x128xf32, #tpu.memory_space<hbm>> -> memref<4096x128xf32, #tpu.memory_space<hbm>>
      tpu.enqueue_indirect_dma source(%dma_start3A_13 : memref<4096x128xf32, #tpu.memory_space<hbm>>) target(%arg6 : memref<128x128xf32, #tpu.memory_space<vmem>>) offsets(%arg5 : memref<128xi32, #tpu.memory_space<vmem>>) semaphore(%arg7 : memref<!tpu.dma_semaphore, #tpu.memory_space<semaphore_mem>>)
      %dma_wait3A = arith.constant 0 : i32
      %dma_wait3A_14 = arith.constant 0 : i32
      %dma_wait3A_15 = tpu.memref_slice %arg3[%dma_wait3A, %dma_wait3A_14] : memref<4096x128xf32, #tpu.memory_space<hbm>> -> memref<4096x128xf32, #tpu.memory_space<hbm>>
      tpu.wait_indirect_dma semaphore(%arg7 : memref<!tpu.dma_semaphore, #tpu.memory_space<semaphore_mem>>) src(%dma_wait3A_15 : memref<4096x128xf32, #tpu.memory_space<hbm>>) dst(%arg6 : memref<128x128xf32, #tpu.memory_space<vmem>>)
      "tpu.region"() ({
        %run_scoped3A = tpu.sem_alloc : memref<!tpu.dma_semaphore, #tpu.memory_space<semaphore_mem>>
        %dma_start3A_16 = arith.constant 0 : i32
        %dma_start3A_17 = tpu.memref_slice %arg4[%add3A_11, %dma_start3A_16] : memref<65536x128xf32, #tpu.memory_space<hbm>> -> memref<128x128xf32, #tpu.memory_space<hbm>>
        %dma_start3A_18 = arith.constant 0 : i32
        %dma_start3A_19 = tpu.memref_slice %arg4[%add3A_11, %dma_start3A_18] : memref<65536x128xf32, #tpu.memory_space<hbm>> -> memref<128x128xf32, #tpu.memory_space<hbm>>
        tpu.enqueue_dma source(%arg6 : memref<128x128xf32, #tpu.memory_space<vmem>>) target(%dma_start3A_19 : memref<128x128xf32, #tpu.memory_space<hbm>>) target_semaphore(%run_scoped3A : memref<!tpu.dma_semaphore, #tpu.memory_space<semaphore_mem>>)
        %dma_wait3A_20 = arith.constant 0 : i32
        %dma_wait3A_21 = tpu.memref_slice %arg4[%add3A_11, %dma_wait3A_20] : memref<65536x128xf32, #tpu.memory_space<hbm>> -> memref<128x128xf32, #tpu.memory_space<hbm>>
        %dma_wait3A_22 = arith.constant 0 : i32
        %dma_wait3A_23 = tpu.memref_slice %arg4[%add3A_11, %dma_wait3A_22] : memref<65536x128xf32, #tpu.memory_space<hbm>> -> memref<128x128xf32, #tpu.memory_space<hbm>>
        tpu.wait_dma2 semaphore(%run_scoped3A : memref<!tpu.dma_semaphore, #tpu.memory_space<semaphore_mem>>) src(%arg6 : memref<128x128xf32, #tpu.memory_space<vmem>>) dst(%dma_wait3A_23 : memref<128x128xf32, #tpu.memory_space<hbm>>)
        tpu.yield
      }) : () -> ()
    }
    %scan3A_7 = arith.constant 16 : i32
    return
  }
}

module attributes {stable_mosaic.version = 14 : i64} {
  func.func @_k1_body(%arg0: i32, %arg1: i32, %arg2: memref<1x256x6xf32, #tpu.memory_space<vmem>>, %arg3: memref<1x256x3xf32, #tpu.memory_space<vmem>>, %arg4: memref<1x3x4096xf32, #tpu.memory_space<vmem>>, %arg5: memref<6x128xf32, #tpu.memory_space<vmem>>, %arg6: memref<1x128xf32, #tpu.memory_space<vmem>>, %arg7: memref<128x128xf32, #tpu.memory_space<vmem>>, %arg8: memref<1x128xf32, #tpu.memory_space<vmem>>, %arg9: memref<128x128xf32, #tpu.memory_space<vmem>>, %arg10: memref<1x128xf32, #tpu.memory_space<vmem>>, %arg11: memref<128x128xf32, #tpu.memory_space<vmem>>, %arg12: memref<1x256x128xf32, #tpu.memory_space<vmem>>, %arg13: memref<1x256x128xf32, #tpu.memory_space<vmem>>, %arg14: memref<1x256x128xf32, #tpu.memory_space<vmem>>, %arg15: memref<1x16x256xi32, #tpu.memory_space<vmem>>) attributes {dimension_semantics = [#tpu.dimension_semantics<parallel>, #tpu.dimension_semantics<parallel>], iteration_bounds = array<i64: 1, 16>, scalar_prefetch = 0 : i64, scratch_operands = 0 : i64, tpu.core_type = #tpu.core_type<tc>, window_params = [{transform_indices = @transform_0, window_bounds = array<i64: 1, 256, 6>}, {transform_indices = @transform_1, window_bounds = array<i64: 1, 256, 3>}, {transform_indices = @transform_2, window_bounds = array<i64: 1, 3, 4096>}, {pipeline_mode = #tpu.pipeline_mode<synchronous>, transform_indices = @transform_3, window_bounds = array<i64: 6, 128>}, {pipeline_mode = #tpu.pipeline_mode<synchronous>, transform_indices = @transform_4, window_bounds = array<i64: 1, 128>}, {pipeline_mode = #tpu.pipeline_mode<synchronous>, transform_indices = @transform_5, window_bounds = array<i64: 128, 128>}, {pipeline_mode = #tpu.pipeline_mode<synchronous>, transform_indices = @transform_6, window_bounds = array<i64: 1, 128>}, {pipeline_mode = #tpu.pipeline_mode<synchronous>, transform_indices = @transform_7, window_bounds = array<i64: 128, 128>}, {pipeline_mode = #tpu.pipeline_mode<synchronous>, transform_indices = @transform_8, window_bounds = array<i64: 1, 128>}, {pipeline_mode = #tpu.pipeline_mode<synchronous>, transform_indices = @transform_9, window_bounds = array<i64: 128, 128>}, {transform_indices = @transform_10, window_bounds = array<i64: 1, 256, 128>}, {transform_indices = @transform_11, window_bounds = array<i64: 1, 256, 128>}, {transform_indices = @transform_12, window_bounds = array<i64: 1, 256, 128>}, {transform_indices = @transform_13, window_bounds = array<i64: 1, 16, 256>}]} {
    %get3A = arith.constant 0 : index
    %get3A_0 = arith.constant 0 : index
    %get3A_1 = arith.constant 0 : index
    %get3A_2 = vector.load %arg2[%get3A, %get3A_0, %get3A_1] : memref<1x256x6xf32, #tpu.memory_space<vmem>>, vector<1x256x6xf32>
    %get3A_3 = vector.shape_cast %get3A_2 : vector<1x256x6xf32> to vector<256x6xf32>
    %get3A_4 = arith.constant 0 : index
    %get3A_5 = arith.constant 0 : index
    %get3A_6 = vector.load %arg5[%get3A_4, %get3A_5] : memref<6x128xf32, #tpu.memory_space<vmem>>, vector<6x128xf32>
    %dot_general3A = arith.constant dense<0.000000e+00> : vector<256x128xf32>
    %dot_general3A_7 = tpu.matmul %get3A_3, %get3A_6, %dot_general3A {dimension_numbers = #tpu.dot_dimension_numbers<[1], [0], [0], [1], [0, 0, 1, 1], [], []>, transpose_lhs_hint = false} : vector<256x6xf32>, vector<6x128xf32>, vector<256x128xf32> -> vector<256x128xf32>
    %get3A_8 = arith.constant 0 : index
    %get3A_9 = arith.constant 0 : index
    %get3A_10 = vector.load %arg6[%get3A_8, %get3A_9] : memref<1x128xf32, #tpu.memory_space<vmem>>, vector<1x128xf32>
    %add3A = vector.broadcast %get3A_10 : vector<1x128xf32> to vector<256x128xf32>
    %add3A_11 = arith.addf %dot_general3A_7, %add3A : vector<256x128xf32>
    %max3A = arith.constant 0.000000e+00 : f32
    %max3A_12 = vector.broadcast %max3A : f32 to vector<256x128xf32>
    %max3A_13 = arith.maximumf %add3A_11, %max3A_12 : vector<256x128xf32>
    %get3A_14 = arith.constant 0 : index
    %get3A_15 = arith.constant 0 : index
    %get3A_16 = vector.load %arg7[%get3A_14, %get3A_15] : memref<128x128xf32, #tpu.memory_space<vmem>>, vector<128x128xf32>
    %dot_general3A_17 = arith.constant dense<0.000000e+00> : vector<256x128xf32>
    %dot_general3A_18 = tpu.matmul %max3A_13, %get3A_16, %dot_general3A_17 {dimension_numbers = #tpu.dot_dimension_numbers<[1], [0], [0], [1], [0, 0, 1, 1], [], []>, transpose_lhs_hint = false} : vector<256x128xf32>, vector<128x128xf32>, vector<256x128xf32> -> vector<256x128xf32>
    %get3A_19 = arith.constant 0 : index
    %get3A_20 = arith.constant 0 : index
    %get3A_21 = vector.load %arg8[%get3A_19, %get3A_20] : memref<1x128xf32, #tpu.memory_space<vmem>>, vector<1x128xf32>
    %add3A_22 = vector.broadcast %get3A_21 : vector<1x128xf32> to vector<256x128xf32>
    %add3A_23 = arith.addf %dot_general3A_18, %add3A_22 : vector<256x128xf32>
    %max3A_24 = arith.constant 0.000000e+00 : f32
    %max3A_25 = vector.broadcast %max3A_24 : f32 to vector<256x128xf32>
    %max3A_26 = arith.maximumf %add3A_23, %max3A_25 : vector<256x128xf32>
    %swap3A = arith.constant 0 : index
    %swap3A_27 = arith.constant 0 : index
    %swap3A_28 = arith.constant 0 : index
    %swap3A_29 = vector.load %arg12[%swap3A, %swap3A_27, %swap3A_28] : memref<1x256x128xf32, #tpu.memory_space<vmem>>, vector<1x256x128xf32>
    %swap3A_30 = vector.shape_cast %swap3A_29 : vector<1x256x128xf32> to vector<256x128xf32>
    %swap3A_31 = vector.shape_cast %max3A_26 : vector<256x128xf32> to vector<1x256x128xf32>
    tpu.vector_store %arg12[%swap3A, %swap3A_27, %swap3A_28], %swap3A_31 {strides = array<i32>} : memref<1x256x128xf32, #tpu.memory_space<vmem>>, vector<1x256x128xf32>,
    %get3A_32 = arith.constant 0 : index
    %get3A_33 = arith.constant 0 : index
    %get3A_34 = vector.load %arg9[%get3A_32, %get3A_33] : memref<128x128xf32, #tpu.memory_space<vmem>>, vector<128x128xf32>
    %dot_general3A_35 = arith.constant dense<0.000000e+00> : vector<256x128xf32>
    %dot_general3A_36 = tpu.matmul %max3A_26, %get3A_34, %dot_general3A_35 {dimension_numbers = #tpu.dot_dimension_numbers<[1], [0], [0], [1], [0, 0, 1, 1], [], []>, transpose_lhs_hint = false} : vector<256x128xf32>, vector<128x128xf32>, vector<256x128xf32> -> vector<256x128xf32>
    %get3A_37 = arith.constant 0 : index
    %get3A_38 = arith.constant 0 : index
    %get3A_39 = vector.load %arg10[%get3A_37, %get3A_38] : memref<1x128xf32, #tpu.memory_space<vmem>>, vector<1x128xf32>
    %add3A_40 = vector.broadcast %get3A_39 : vector<1x128xf32> to vector<256x128xf32>
    %add3A_41 = arith.addf %dot_general3A_36, %add3A_40 : vector<256x128xf32>
    %swap3A_42 = arith.constant 0 : index
    %swap3A_43 = arith.constant 0 : index
    %swap3A_44 = arith.constant 0 : index
    %swap3A_45 = vector.load %arg13[%swap3A_42, %swap3A_43, %swap3A_44] : memref<1x256x128xf32, #tpu.memory_space<vmem>>, vector<1x256x128xf32>
    %swap3A_46 = vector.shape_cast %swap3A_45 : vector<1x256x128xf32> to vector<256x128xf32>
    %swap3A_47 = vector.shape_cast %add3A_41 : vector<256x128xf32> to vector<1x256x128xf32>
    tpu.vector_store %arg13[%swap3A_42, %swap3A_43, %swap3A_44], %swap3A_47 {strides = array<i32>} : memref<1x256x128xf32, #tpu.memory_space<vmem>>, vector<1x256x128xf32>,
    %get3A_48 = arith.constant 0 : index
    %get3A_49 = arith.constant 0 : index
    %get3A_50 = vector.load %arg11[%get3A_48, %get3A_49] : memref<128x128xf32, #tpu.memory_space<vmem>>, vector<128x128xf32>
    %dot_general3A_51 = arith.constant dense<0.000000e+00> : vector<256x128xf32>
    %dot_general3A_52 = tpu.matmul %max3A_26, %get3A_50, %dot_general3A_51 {dimension_numbers = #tpu.dot_dimension_numbers<[1], [0], [0], [1], [0, 0, 1, 1], [], []>, transpose_lhs_hint = false} : vector<256x128xf32>, vector<128x128xf32>, vector<256x128xf32> -> vector<256x128xf32>
    %swap3A_53 = arith.constant 0 : index
    %swap3A_54 = arith.constant 0 : index
    %swap3A_55 = arith.constant 0 : index
    %swap3A_56 = vector.load %arg14[%swap3A_53, %swap3A_54, %swap3A_55] : memref<1x256x128xf32, #tpu.memory_space<vmem>>, vector<1x256x128xf32>
    %swap3A_57 = vector.shape_cast %swap3A_56 : vector<1x256x128xf32> to vector<256x128xf32>
    %swap3A_58 = vector.shape_cast %dot_general3A_52 : vector<256x128xf32> to vector<1x256x128xf32>
    tpu.vector_store %arg14[%swap3A_53, %swap3A_54, %swap3A_55], %swap3A_58 {strides = array<i32>} : memref<1x256x128xf32, #tpu.memory_space<vmem>>, vector<1x256x128xf32>,
    %get3A_59 = arith.constant 0 : index
    %get3A_60 = arith.constant 0 : index
    %get3A_61 = arith.constant 0 : index
    %get3A_62 = vector.load %arg3[%get3A_59, %get3A_60, %get3A_61] : memref<1x256x3xf32, #tpu.memory_space<vmem>>, vector<1x256x3xf32>
    %get3A_63 = vector.shape_cast %get3A_62 : vector<1x256x3xf32> to vector<256x3xf32>
    %get3A_64 = arith.constant 0 : index
    %get3A_65 = arith.constant 0 : index
    %get3A_66 = arith.constant 0 : index
    %get3A_67 = vector.load %arg4[%get3A_64, %get3A_65, %get3A_66] : memref<1x3x4096xf32, #tpu.memory_space<vmem>>, vector<1x3x4096xf32>
    %get3A_68 = vector.shape_cast %get3A_67 : vector<1x3x4096xf32> to vector<3x4096xf32>
    %dot_general3A_69 = arith.constant dense<0.000000e+00> : vector<256x4096xf32>
    %dot_general3A_70 = tpu.matmul %get3A_63, %get3A_68, %dot_general3A_69 {dimension_numbers = #tpu.dot_dimension_numbers<[1], [0], [0], [1], [0, 0, 1, 1], [], []>, transpose_lhs_hint = false} : vector<256x3xf32>, vector<3x4096xf32>, vector<256x4096xf32> -> vector<256x4096xf32>
    %mul3A = arith.mulf %get3A_63, %get3A_63 : vector<256x3xf32>
    %reduce_sum3A = arith.constant dense<0.000000e+00> : vector<256xf32>
    %reduce_sum3A_71 = vector.multi_reduction <add>, %mul3A, %reduce_sum3A [1] : vector<256x3xf32> to vector<256xf32>
    %broadcast_in_dim3A = vector.shape_cast %reduce_sum3A_71 : vector<256xf32> to vector<256x1xf32>
    %mul3A_72 = arith.mulf %get3A_68, %get3A_68 : vector<3x4096xf32>
    %reduce_sum3A_73 = arith.constant dense<0.000000e+00> : vector<4096xf32>
    %reduce_sum3A_74 = vector.multi_reduction <add>, %mul3A_72, %reduce_sum3A_73 [0] : vector<3x4096xf32> to vector<4096xf32>
    %broadcast_in_dim3A_75 = vector.shape_cast %reduce_sum3A_74 : vector<4096xf32> to vector<1x4096xf32>
    %add3A_76 = vector.broadcast %broadcast_in_dim3A : vector<256x1xf32> to vector<256x4096xf32>
    %add3A_77 = vector.broadcast %broadcast_in_dim3A_75 : vector<1x4096xf32> to vector<256x4096xf32>
    %add3A_78 = arith.addf %add3A_76, %add3A_77 : vector<256x4096xf32>
    %mul3A_79 = arith.constant 2.000000e+00 : f32
    %mul3A_80 = vector.broadcast %mul3A_79 : f32 to vector<256x4096xf32>
    %mul3A_81 = arith.mulf %mul3A_80, %dot_general3A_70 : vector<256x4096xf32>
    %sub3A = arith.subf %add3A_78, %mul3A_81 : vector<256x4096xf32>
    %mul3A_82 = arith.constant 256 : i32
    %mul3A_83 = arith.muli %arg1, %mul3A_82 : i32
    %iota3A = tpu.iota {dimensions = array<i32: 0>} : vector<256x1xi32>
    %add3A_84 = vector.broadcast %mul3A_83 : i32 to vector<256x1xi32>
    %add3A_85 = arith.addi %iota3A, %add3A_84 : vector<256x1xi32>
    %iota3A_86 = tpu.iota {dimensions = array<i32: 1>} : vector<256x4096xi32>
    %eq3A = vector.broadcast %add3A_85 : vector<256x1xi32> to vector<256x4096xi32>
    %eq3A_87 = arith.cmpi eq, %iota3A_86, %eq3A : vector<256x4096xi32>
    %jit3A = arith.constant 0x7F800000 : f32
    %broadcast_in_dim3A_88 = vector.broadcast %jit3A : f32 to vector<256x4096xf32>
    %select_n3A = arith.select %eq3A_87, %broadcast_in_dim3A_88, %sub3A : vector<256x4096xi1>, vector<256x4096xf32>
    %slice3A = vector.extract_strided_slice %select_n3A {offsets = [0, 0], sizes = [256, 2048], strides = [1, 1]} : vector<256x4096xf32> to vector<256x2048xf32>
    %slice3A_89 = vector.extract_strided_slice %select_n3A {offsets = [0, 2048], sizes = [256, 2048], strides = [1, 1]} : vector<256x4096xf32> to vector<256x2048xf32>
    %iota3A_90 = tpu.iota {dimensions = array<i32: 1>} : vector<256x2048xi32>
    %convert_element_type3A = arith.sitofp %iota3A_90 : vector<256x2048xi32> to vector<256x2048xf32>
    %add3A_91 = arith.constant 2.048000e+03 : f32
    %add3A_92 = vector.broadcast %add3A_91 : f32 to vector<256x2048xf32>
    %add3A_93 = arith.addf %convert_element_type3A, %add3A_92 : vector<256x2048xf32>
    %lt3A = arith.cmpf olt, %slice3A_89, %slice3A : vector<256x2048xf32>
    %min3A = arith.minimumf %slice3A, %slice3A_89 : vector<256x2048xf32>
    %max3A_94 = arith.maximumf %slice3A, %slice3A_89 : vector<256x2048xf32>
    %select_n3A_95 = arith.select %lt3A, %add3A_93, %convert_element_type3A : vector<256x2048xi1>, vector<256x2048xf32>
    %select_n3A_96 = arith.select %lt3A, %convert_element_type3A, %add3A_93 : vector<256x2048xi1>, vector<256x2048xf32>
    %reduce_min3A = arith.constant dense<0x7F800000> : vector<256xf32>
    %reduce_min3A_97 = vector.multi_reduction <minimumf>, %min3A, %reduce_min3A [1] : vector<256x2048xf32> to vector<256xf32>
    %broadcast_in_dim3A_98 = vector.shape_cast %reduce_min3A_97 : vector<256xf32> to vector<256x1xf32>
    %le3A = vector.broadcast %broadcast_in_dim3A_98 : vector<256x1xf32> to vector<256x2048xf32>
    %le3A_99 = arith.cmpf ole, %min3A, %le3A : vector<256x2048xf32>
    %jit3A_100 = arith.constant 0x7F800000 : f32
    %broadcast_in_dim3A_101 = vector.broadcast %jit3A_100 : f32 to vector<256x2048xf32>
    %select_n3A_102 = arith.select %le3A_99, %select_n3A_95, %broadcast_in_dim3A_101 : vector<256x2048xi1>, vector<256x2048xf32>
    %reduce_min3A_103 = arith.constant dense<0x7F800000> : vector<256xf32>
    %reduce_min3A_104 = vector.multi_reduction <minimumf>, %select_n3A_102, %reduce_min3A_103 [1] : vector<256x2048xf32> to vector<256xf32>
    %broadcast_in_dim3A_105 = vector.shape_cast %reduce_min3A_104 : vector<256xf32> to vector<256x1xf32>
    %eq3A_106 = vector.broadcast %broadcast_in_dim3A_105 : vector<256x1xf32> to vector<256x2048xf32>
    %eq3A_107 = arith.cmpf oeq, %select_n3A_95, %eq3A_106 : vector<256x2048xf32>
    %select_n3A_108 = arith.select %eq3A_107, %max3A_94, %min3A : vector<256x2048xi1>, vector<256x2048xf32>
    %select_n3A_109 = arith.select %eq3A_107, %select_n3A_96, %select_n3A_95 : vector<256x2048xi1>, vector<256x2048xf32>
    %jit3A_110 = arith.constant 0x7F800000 : f32
    %broadcast_in_dim3A_111 = vector.broadcast %jit3A_110 : f32 to vector<256x2048xf32>
    %select_n3A_112 = arith.select %eq3A_107, %broadcast_in_dim3A_111, %max3A_94 : vector<256x2048xi1>, vector<256x2048xf32>
    %reduce_min3A_113 = arith.constant dense<0x7F800000> : vector<256xf32>
    %reduce_min3A_114 = vector.multi_reduction <minimumf>, %select_n3A_108, %reduce_min3A_113 [1] : vector<256x2048xf32> to vector<256xf32>
    %broadcast_in_dim3A_115 = vector.shape_cast %reduce_min3A_114 : vector<256xf32> to vector<256x1xf32>
    %le3A_116 = vector.broadcast %broadcast_in_dim3A_115 : vector<256x1xf32> to vector<256x2048xf32>
    %le3A_117 = arith.cmpf ole, %select_n3A_108, %le3A_116 : vector<256x2048xf32>
    %jit3A_118 = arith.constant 0x7F800000 : f32
    %broadcast_in_dim3A_119 = vector.broadcast %jit3A_118 : f32 to vector<256x2048xf32>
    %select_n3A_120 = arith.select %le3A_117, %select_n3A_109, %broadcast_in_dim3A_119 : vector<256x2048xi1>, vector<256x2048xf32>
    %reduce_min3A_121 = arith.constant dense<0x7F800000> : vector<256xf32>
    %reduce_min3A_122 = vector.multi_reduction <minimumf>, %select_n3A_120, %reduce_min3A_121 [1] : vector<256x2048xf32> to vector<256xf32>
    %broadcast_in_dim3A_123 = vector.shape_cast %reduce_min3A_122 : vector<256xf32> to vector<256x1xf32>
    %eq3A_124 = vector.broadcast %broadcast_in_dim3A_123 : vector<256x1xf32> to vector<256x2048xf32>
    %eq3A_125 = arith.cmpf oeq, %select_n3A_109, %eq3A_124 : vector<256x2048xf32>
    %select_n3A_126 = arith.select %eq3A_125, %select_n3A_112, %select_n3A_108 : vector<256x2048xi1>, vector<256x2048xf32>
    %select_n3A_127 = arith.select %eq3A_125, %select_n3A_96, %select_n3A_109 : vector<256x2048xi1>, vector<256x2048xf32>
    %jit3A_128 = arith.constant 0x7F800000 : f32
    %broadcast_in_dim3A_129 = vector.broadcast %jit3A_128 : f32 to vector<256x2048xf32>
    %select_n3A_130 = arith.select %eq3A_125, %broadcast_in_dim3A_129, %select_n3A_112 : vector<256x2048xi1>, vector<256x2048xf32>
    %reduce_min3A_131 = arith.constant dense<0x7F800000> : vector<256xf32>
    %reduce_min3A_132 = vector.multi_reduction <minimumf>, %select_n3A_126, %reduce_min3A_131 [1] : vector<256x2048xf32> to vector<256xf32>
    %broadcast_in_dim3A_133 = vector.shape_cast %reduce_min3A_132 : vector<256xf32> to vector<256x1xf32>
    %le3A_134 = vector.broadcast %broadcast_in_dim3A_133 : vector<256x1xf32> to vector<256x2048xf32>
    %le3A_135 = arith.cmpf ole, %select_n3A_126, %le3A_134 : vector<256x2048xf32>
    %jit3A_136 = arith.constant 0x7F800000 : f32
    %broadcast_in_dim3A_137 = vector.broadcast %jit3A_136 : f32 to vector<256x2048xf32>
    %select_n3A_138 = arith.select %le3A_135, %select_n3A_127, %broadcast_in_dim3A_137 : vector<256x2048xi1>, vector<256x2048xf32>
    %reduce_min3A_139 = arith.constant dense<0x7F800000> : vector<256xf32>
    %reduce_min3A_140 = vector.multi_reduction <minimumf>, %select_n3A_138, %reduce_min3A_139 [1] : vector<256x2048xf32> to vector<256xf32>
    %broadcast_in_dim3A_141 = vector.shape_cast %reduce_min3A_140 : vector<256xf32> to vector<256x1xf32>
    %eq3A_142 = vector.broadcast %broadcast_in_dim3A_141 : vector<256x1xf32> to vector<256x2048xf32>
    %eq3A_143 = arith.cmpf oeq, %select_n3A_127, %eq3A_142 : vector<256x2048xf32>
    %select_n3A_144 = arith.select %eq3A_143, %select_n3A_130, %select_n3A_126 : vector<256x2048xi1>, vector<256x2048xf32>
    %select_n3A_145 = arith.select %eq3A_143, %select_n3A_96, %select_n3A_127 : vector<256x2048xi1>, vector<256x2048xf32>
    %jit3A_146 = arith.constant 0x7F800000 : f32
    %broadcast_in_dim3A_147 = vector.broadcast %jit3A_146 : f32 to vector<256x2048xf32>
    %select_n3A_148 = arith.select %eq3A_143, %broadcast_in_dim3A_147, %select_n3A_130 : vector<256x2048xi1>, vector<256x2048xf32>
    %reduce_min3A_149 = arith.constant dense<0x7F800000> : vector<256xf32>
    %reduce_min3A_150 = vector.multi_reduction <minimumf>, %select_n3A_144, %reduce_min3A_149 [1] : vector<256x2048xf32> to vector<256xf32>
    %broadcast_in_dim3A_151 = vector.shape_cast %reduce_min3A_150 : vector<256xf32> to vector<256x1xf32>
    %le3A_152 = vector.broadcast %broadcast_in_dim3A_151 : vector<256x1xf32> to vector<256x2048xf32>
    %le3A_153 = arith.cmpf ole, %select_n3A_144, %le3A_152 : vector<256x2048xf32>
    %jit3A_154 = arith.constant 0x7F800000 : f32
    %broadcast_in_dim3A_155 = vector.broadcast %jit3A_154 : f32 to vector<256x2048xf32>
    %select_n3A_156 = arith.select %le3A_153, %select_n3A_145, %broadcast_in_dim3A_155 : vector<256x2048xi1>, vector<256x2048xf32>
    %reduce_min3A_157 = arith.constant dense<0x7F800000> : vector<256xf32>
    %reduce_min3A_158 = vector.multi_reduction <minimumf>, %select_n3A_156, %reduce_min3A_157 [1] : vector<256x2048xf32> to vector<256xf32>
    %broadcast_in_dim3A_159 = vector.shape_cast %reduce_min3A_158 : vector<256xf32> to vector<256x1xf32>
    %eq3A_160 = vector.broadcast %broadcast_in_dim3A_159 : vector<256x1xf32> to vector<256x2048xf32>
    %eq3A_161 = arith.cmpf oeq, %select_n3A_145, %eq3A_160 : vector<256x2048xf32>
    %select_n3A_162 = arith.select %eq3A_161, %select_n3A_148, %select_n3A_144 : vector<256x2048xi1>, vector<256x2048xf32>
    %select_n3A_163 = arith.select %eq3A_161, %select_n3A_96, %select_n3A_145 : vector<256x2048xi1>, vector<256x2048xf32>
    %jit3A_164 = arith.constant 0x7F800000 : f32
    %broadcast_in_dim3A_165 = vector.broadcast %jit3A_164 : f32 to vector<256x2048xf32>
    %select_n3A_166 = arith.select %eq3A_161, %broadcast_in_dim3A_165, %select_n3A_148 : vector<256x2048xi1>, vector<256x2048xf32>
    %reduce_min3A_167 = arith.constant dense<0x7F800000> : vector<256xf32>
    %reduce_min3A_168 = vector.multi_reduction <minimumf>, %select_n3A_162, %reduce_min3A_167 [1] : vector<256x2048xf32> to vector<256xf32>
    %broadcast_in_dim3A_169 = vector.shape_cast %reduce_min3A_168 : vector<256xf32> to vector<256x1xf32>
    %le3A_170 = vector.broadcast %broadcast_in_dim3A_169 : vector<256x1xf32> to vector<256x2048xf32>
    %le3A_171 = arith.cmpf ole, %select_n3A_162, %le3A_170 : vector<256x2048xf32>
    %jit3A_172 = arith.constant 0x7F800000 : f32
    %broadcast_in_dim3A_173 = vector.broadcast %jit3A_172 : f32 to vector<256x2048xf32>
    %select_n3A_174 = arith.select %le3A_171, %select_n3A_163, %broadcast_in_dim3A_173 : vector<256x2048xi1>, vector<256x2048xf32>
    %reduce_min3A_175 = arith.constant dense<0x7F800000> : vector<256xf32>
    %reduce_min3A_176 = vector.multi_reduction <minimumf>, %select_n3A_174, %reduce_min3A_175 [1] : vector<256x2048xf32> to vector<256xf32>
    %broadcast_in_dim3A_177 = vector.shape_cast %reduce_min3A_176 : vector<256xf32> to vector<256x1xf32>
    %eq3A_178 = vector.broadcast %broadcast_in_dim3A_177 : vector<256x1xf32> to vector<256x2048xf32>
    %eq3A_179 = arith.cmpf oeq, %select_n3A_163, %eq3A_178 : vector<256x2048xf32>
    %select_n3A_180 = arith.select %eq3A_179, %select_n3A_166, %select_n3A_162 : vector<256x2048xi1>, vector<256x2048xf32>
    %select_n3A_181 = arith.select %eq3A_179, %select_n3A_96, %select_n3A_163 : vector<256x2048xi1>, vector<256x2048xf32>
    %jit3A_182 = arith.constant 0x7F800000 : f32
    %broadcast_in_dim3A_183 = vector.broadcast %jit3A_182 : f32 to vector<256x2048xf32>
    %select_n3A_184 = arith.select %eq3A_179, %broadcast_in_dim3A_183, %select_n3A_166 : vector<256x2048xi1>, vector<256x2048xf32>
    %reduce_min3A_185 = arith.constant dense<0x7F800000> : vector<256xf32>
    %reduce_min3A_186 = vector.multi_reduction <minimumf>, %select_n3A_180, %reduce_min3A_185 [1] : vector<256x2048xf32> to vector<256xf32>
    %broadcast_in_dim3A_187 = vector.shape_cast %reduce_min3A_186 : vector<256xf32> to vector<256x1xf32>
    %le3A_188 = vector.broadcast %broadcast_in_dim3A_187 : vector<256x1xf32> to vector<256x2048xf32>
    %le3A_189 = arith.cmpf ole, %select_n3A_180, %le3A_188 : vector<256x2048xf32>
    %jit3A_190 = arith.constant 0x7F800000 : f32
    %broadcast_in_dim3A_191 = vector.broadcast %jit3A_190 : f32 to vector<256x2048xf32>
    %select_n3A_192 = arith.select %le3A_189, %select_n3A_181, %broadcast_in_dim3A_191 : vector<256x2048xi1>, vector<256x2048xf32>
    %reduce_min3A_193 = arith.constant dense<0x7F800000> : vector<256xf32>
    %reduce_min3A_194 = vector.multi_reduction <minimumf>, %select_n3A_192, %reduce_min3A_193 [1] : vector<256x2048xf32> to vector<256xf32>
    %broadcast_in_dim3A_195 = vector.shape_cast %reduce_min3A_194 : vector<256xf32> to vector<256x1xf32>
    %eq3A_196 = vector.broadcast %broadcast_in_dim3A_195 : vector<256x1xf32> to vector<256x2048xf32>
    %eq3A_197 = arith.cmpf oeq, %select_n3A_181, %eq3A_196 : vector<256x2048xf32>
    %select_n3A_198 = arith.select %eq3A_197, %select_n3A_184, %select_n3A_180 : vector<256x2048xi1>, vector<256x2048xf32>
    %select_n3A_199 = arith.select %eq3A_197, %select_n3A_96, %select_n3A_181 : vector<256x2048xi1>, vector<256x2048xf32>
    %jit3A_200 = arith.constant 0x7F800000 : f32
    %broadcast_in_dim3A_201 = vector.broadcast %jit3A_200 : f32 to vector<256x2048xf32>
    %select_n3A_202 = arith.select %eq3A_197, %broadcast_in_dim3A_201, %select_n3A_184 : vector<256x2048xi1>, vector<256x2048xf32>
    %reduce_min3A_203 = arith.constant dense<0x7F800000> : vector<256xf32>
    %reduce_min3A_204 = vector.multi_reduction <minimumf>, %select_n3A_198, %reduce_min3A_203 [1] : vector<256x2048xf32> to vector<256xf32>
    %broadcast_in_dim3A_205 = vector.shape_cast %reduce_min3A_204 : vector<256xf32> to vector<256x1xf32>
    %le3A_206 = vector.broadcast %broadcast_in_dim3A_205 : vector<256x1xf32> to vector<256x2048xf32>
    %le3A_207 = arith.cmpf ole, %select_n3A_198, %le3A_206 : vector<256x2048xf32>
    %jit3A_208 = arith.constant 0x7F800000 : f32
    %broadcast_in_dim3A_209 = vector.broadcast %jit3A_208 : f32 to vector<256x2048xf32>
    %select_n3A_210 = arith.select %le3A_207, %select_n3A_199, %broadcast_in_dim3A_209 : vector<256x2048xi1>, vector<256x2048xf32>
    %reduce_min3A_211 = arith.constant dense<0x7F800000> : vector<256xf32>
    %reduce_min3A_212 = vector.multi_reduction <minimumf>, %select_n3A_210, %reduce_min3A_211 [1] : vector<256x2048xf32> to vector<256xf32>
    %broadcast_in_dim3A_213 = vector.shape_cast %reduce_min3A_212 : vector<256xf32> to vector<256x1xf32>
    %eq3A_214 = vector.broadcast %broadcast_in_dim3A_213 : vector<256x1xf32> to vector<256x2048xf32>
    %eq3A_215 = arith.cmpf oeq, %select_n3A_199, %eq3A_214 : vector<256x2048xf32>
    %select_n3A_216 = arith.select %eq3A_215, %select_n3A_202, %select_n3A_198 : vector<256x2048xi1>, vector<256x2048xf32>
    %select_n3A_217 = arith.select %eq3A_215, %select_n3A_96, %select_n3A_199 : vector<256x2048xi1>, vector<256x2048xf32>
    %jit3A_218 = arith.constant 0x7F800000 : f32
    %broadcast_in_dim3A_219 = vector.broadcast %jit3A_218 : f32 to vector<256x2048xf32>
    %select_n3A_220 = arith.select %eq3A_215, %broadcast_in_dim3A_219, %select_n3A_202 : vector<256x2048xi1>, vector<256x2048xf32>
    %reduce_min3A_221 = arith.constant dense<0x7F800000> : vector<256xf32>
    %reduce_min3A_222 = vector.multi_reduction <minimumf>, %select_n3A_216, %reduce_min3A_221 [1] : vector<256x2048xf32> to vector<256xf32>
    %broadcast_in_dim3A_223 = vector.shape_cast %reduce_min3A_222 : vector<256xf32> to vector<256x1xf32>
    %le3A_224 = vector.broadcast %broadcast_in_dim3A_223 : vector<256x1xf32> to vector<256x2048xf32>
    %le3A_225 = arith.cmpf ole, %select_n3A_216, %le3A_224 : vector<256x2048xf32>
    %jit3A_226 = arith.constant 0x7F800000 : f32
    %broadcast_in_dim3A_227 = vector.broadcast %jit3A_226 : f32 to vector<256x2048xf32>
    %select_n3A_228 = arith.select %le3A_225, %select_n3A_217, %broadcast_in_dim3A_227 : vector<256x2048xi1>, vector<256x2048xf32>
    %reduce_min3A_229 = arith.constant dense<0x7F800000> : vector<256xf32>
    %reduce_min3A_230 = vector.multi_reduction <minimumf>, %select_n3A_228, %reduce_min3A_229 [1] : vector<256x2048xf32> to vector<256xf32>
    %broadcast_in_dim3A_231 = vector.shape_cast %reduce_min3A_230 : vector<256xf32> to vector<256x1xf32>
    %eq3A_232 = vector.broadcast %broadcast_in_dim3A_231 : vector<256x1xf32> to vector<256x2048xf32>
    %eq3A_233 = arith.cmpf oeq, %select_n3A_217, %eq3A_232 : vector<256x2048xf32>
    %select_n3A_234 = arith.select %eq3A_233, %select_n3A_220, %select_n3A_216 : vector<256x2048xi1>, vector<256x2048xf32>
    %select_n3A_235 = arith.select %eq3A_233, %select_n3A_96, %select_n3A_217 : vector<256x2048xi1>, vector<256x2048xf32>
    %jit3A_236 = arith.constant 0x7F800000 : f32
    %broadcast_in_dim3A_237 = vector.broadcast %jit3A_236 : f32 to vector<256x2048xf32>
    %select_n3A_238 = arith.select %eq3A_233, %broadcast_in_dim3A_237, %select_n3A_220 : vector<256x2048xi1>, vector<256x2048xf32>
    %reduce_min3A_239 = arith.constant dense<0x7F800000> : vector<256xf32>
    %reduce_min3A_240 = vector.multi_reduction <minimumf>, %select_n3A_234, %reduce_min3A_239 [1] : vector<256x2048xf32> to vector<256xf32>
    %broadcast_in_dim3A_241 = vector.shape_cast %reduce_min3A_240 : vector<256xf32> to vector<256x1xf32>
    %le3A_242 = vector.broadcast %broadcast_in_dim3A_241 : vector<256x1xf32> to vector<256x2048xf32>
    %le3A_243 = arith.cmpf ole, %select_n3A_234, %le3A_242 : vector<256x2048xf32>
    %jit3A_244 = arith.constant 0x7F800000 : f32
    %broadcast_in_dim3A_245 = vector.broadcast %jit3A_244 : f32 to vector<256x2048xf32>
    %select_n3A_246 = arith.select %le3A_243, %select_n3A_235, %broadcast_in_dim3A_245 : vector<256x2048xi1>, vector<256x2048xf32>
    %reduce_min3A_247 = arith.constant dense<0x7F800000> : vector<256xf32>
    %reduce_min3A_248 = vector.multi_reduction <minimumf>, %select_n3A_246, %reduce_min3A_247 [1] : vector<256x2048xf32> to vector<256xf32>
    %broadcast_in_dim3A_249 = vector.shape_cast %reduce_min3A_248 : vector<256xf32> to vector<256x1xf32>
    %eq3A_250 = vector.broadcast %broadcast_in_dim3A_249 : vector<256x1xf32> to vector<256x2048xf32>
    %eq3A_251 = arith.cmpf oeq, %select_n3A_235, %eq3A_250 : vector<256x2048xf32>
    %select_n3A_252 = arith.select %eq3A_251, %select_n3A_238, %select_n3A_234 : vector<256x2048xi1>, vector<256x2048xf32>
    %select_n3A_253 = arith.select %eq3A_251, %select_n3A_96, %select_n3A_235 : vector<256x2048xi1>, vector<256x2048xf32>
    %jit3A_254 = arith.constant 0x7F800000 : f32
    %broadcast_in_dim3A_255 = vector.broadcast %jit3A_254 : f32 to vector<256x2048xf32>
    %select_n3A_256 = arith.select %eq3A_251, %broadcast_in_dim3A_255, %select_n3A_238 : vector<256x2048xi1>, vector<256x2048xf32>
    %reduce_min3A_257 = arith.constant dense<0x7F800000> : vector<256xf32>
    %reduce_min3A_258 = vector.multi_reduction <minimumf>, %select_n3A_252, %reduce_min3A_257 [1] : vector<256x2048xf32> to vector<256xf32>
    %broadcast_in_dim3A_259 = vector.shape_cast %reduce_min3A_258 : vector<256xf32> to vector<256x1xf32>
    %le3A_260 = vector.broadcast %broadcast_in_dim3A_259 : vector<256x1xf32> to vector<256x2048xf32>
    %le3A_261 = arith.cmpf ole, %select_n3A_252, %le3A_260 : vector<256x2048xf32>
    %jit3A_262 = arith.constant 0x7F800000 : f32
    %broadcast_in_dim3A_263 = vector.broadcast %jit3A_262 : f32 to vector<256x2048xf32>
    %select_n3A_264 = arith.select %le3A_261, %select_n3A_253, %broadcast_in_dim3A_263 : vector<256x2048xi1>, vector<256x2048xf32>
    %reduce_min3A_265 = arith.constant dense<0x7F800000> : vector<256xf32>
    %reduce_min3A_266 = vector.multi_reduction <minimumf>, %select_n3A_264, %reduce_min3A_265 [1] : vector<256x2048xf32> to vector<256xf32>
    %broadcast_in_dim3A_267 = vector.shape_cast %reduce_min3A_266 : vector<256xf32> to vector<256x1xf32>
    %eq3A_268 = vector.broadcast %broadcast_in_dim3A_267 : vector<256x1xf32> to vector<256x2048xf32>
    %eq3A_269 = arith.cmpf oeq, %select_n3A_253, %eq3A_268 : vector<256x2048xf32>
    %select_n3A_270 = arith.select %eq3A_269, %select_n3A_256, %select_n3A_252 : vector<256x2048xi1>, vector<256x2048xf32>
    %select_n3A_271 = arith.select %eq3A_269, %select_n3A_96, %select_n3A_253 : vector<256x2048xi1>, vector<256x2048xf32>
    %jit3A_272 = arith.constant 0x7F800000 : f32
    %broadcast_in_dim3A_273 = vector.broadcast %jit3A_272 : f32 to vector<256x2048xf32>
    %select_n3A_274 = arith.select %eq3A_269, %broadcast_in_dim3A_273, %select_n3A_256 : vector<256x2048xi1>, vector<256x2048xf32>
    %reduce_min3A_275 = arith.constant dense<0x7F800000> : vector<256xf32>
    %reduce_min3A_276 = vector.multi_reduction <minimumf>, %select_n3A_270, %reduce_min3A_275 [1] : vector<256x2048xf32> to vector<256xf32>
    %broadcast_in_dim3A_277 = vector.shape_cast %reduce_min3A_276 : vector<256xf32> to vector<256x1xf32>
    %le3A_278 = vector.broadcast %broadcast_in_dim3A_277 : vector<256x1xf32> to vector<256x2048xf32>
    %le3A_279 = arith.cmpf ole, %select_n3A_270, %le3A_278 : vector<256x2048xf32>
    %jit3A_280 = arith.constant 0x7F800000 : f32
    %broadcast_in_dim3A_281 = vector.broadcast %jit3A_280 : f32 to vector<256x2048xf32>
    %select_n3A_282 = arith.select %le3A_279, %select_n3A_271, %broadcast_in_dim3A_281 : vector<256x2048xi1>, vector<256x2048xf32>
    %reduce_min3A_283 = arith.constant dense<0x7F800000> : vector<256xf32>
    %reduce_min3A_284 = vector.multi_reduction <minimumf>, %select_n3A_282, %reduce_min3A_283 [1] : vector<256x2048xf32> to vector<256xf32>
    %broadcast_in_dim3A_285 = vector.shape_cast %reduce_min3A_284 : vector<256xf32> to vector<256x1xf32>
    %eq3A_286 = vector.broadcast %broadcast_in_dim3A_285 : vector<256x1xf32> to vector<256x2048xf32>
    %eq3A_287 = arith.cmpf oeq, %select_n3A_271, %eq3A_286 : vector<256x2048xf32>
    %select_n3A_288 = arith.select %eq3A_287, %select_n3A_274, %select_n3A_270 : vector<256x2048xi1>, vector<256x2048xf32>
    %select_n3A_289 = arith.select %eq3A_287, %select_n3A_96, %select_n3A_271 : vector<256x2048xi1>, vector<256x2048xf32>
    %jit3A_290 = arith.constant 0x7F800000 : f32
    %broadcast_in_dim3A_291 = vector.broadcast %jit3A_290 : f32 to vector<256x2048xf32>
    %select_n3A_292 = arith.select %eq3A_287, %broadcast_in_dim3A_291, %select_n3A_274 : vector<256x2048xi1>, vector<256x2048xf32>
    %reduce_min3A_293 = arith.constant dense<0x7F800000> : vector<256xf32>
    %reduce_min3A_294 = vector.multi_reduction <minimumf>, %select_n3A_288, %reduce_min3A_293 [1] : vector<256x2048xf32> to vector<256xf32>
    %broadcast_in_dim3A_295 = vector.shape_cast %reduce_min3A_294 : vector<256xf32> to vector<256x1xf32>
    %le3A_296 = vector.broadcast %broadcast_in_dim3A_295 : vector<256x1xf32> to vector<256x2048xf32>
    %le3A_297 = arith.cmpf ole, %select_n3A_288, %le3A_296 : vector<256x2048xf32>
    %jit3A_298 = arith.constant 0x7F800000 : f32
    %broadcast_in_dim3A_299 = vector.broadcast %jit3A_298 : f32 to vector<256x2048xf32>
    %select_n3A_300 = arith.select %le3A_297, %select_n3A_289, %broadcast_in_dim3A_299 : vector<256x2048xi1>, vector<256x2048xf32>
    %reduce_min3A_301 = arith.constant dense<0x7F800000> : vector<256xf32>
    %reduce_min3A_302 = vector.multi_reduction <minimumf>, %select_n3A_300, %reduce_min3A_301 [1] : vector<256x2048xf32> to vector<256xf32>
    %broadcast_in_dim3A_303 = vector.shape_cast %reduce_min3A_302 : vector<256xf32> to vector<256x1xf32>
    %eq3A_304 = vector.broadcast %broadcast_in_dim3A_303 : vector<256x1xf32> to vector<256x2048xf32>
    %eq3A_305 = arith.cmpf oeq, %select_n3A_289, %eq3A_304 : vector<256x2048xf32>
    %select_n3A_306 = arith.select %eq3A_305, %select_n3A_292, %select_n3A_288 : vector<256x2048xi1>, vector<256x2048xf32>
    %select_n3A_307 = arith.select %eq3A_305, %select_n3A_96, %select_n3A_289 : vector<256x2048xi1>, vector<256x2048xf32>
    %jit3A_308 = arith.constant 0x7F800000 : f32
    %broadcast_in_dim3A_309 = vector.broadcast %jit3A_308 : f32 to vector<256x2048xf32>
    %select_n3A_310 = arith.select %eq3A_305, %broadcast_in_dim3A_309, %select_n3A_292 : vector<256x2048xi1>, vector<256x2048xf32>
    %reduce_min3A_311 = arith.constant dense<0x7F800000> : vector<256xf32>
    %reduce_min3A_312 = vector.multi_reduction <minimumf>, %select_n3A_306, %reduce_min3A_311 [1] : vector<256x2048xf32> to vector<256xf32>
    %broadcast_in_dim3A_313 = vector.shape_cast %reduce_min3A_312 : vector<256xf32> to vector<256x1xf32>
    %le3A_314 = vector.broadcast %broadcast_in_dim3A_313 : vector<256x1xf32> to vector<256x2048xf32>
    %le3A_315 = arith.cmpf ole, %select_n3A_306, %le3A_314 : vector<256x2048xf32>
    %jit3A_316 = arith.constant 0x7F800000 : f32
    %broadcast_in_dim3A_317 = vector.broadcast %jit3A_316 : f32 to vector<256x2048xf32>
    %select_n3A_318 = arith.select %le3A_315, %select_n3A_307, %broadcast_in_dim3A_317 : vector<256x2048xi1>, vector<256x2048xf32>
    %reduce_min3A_319 = arith.constant dense<0x7F800000> : vector<256xf32>
    %reduce_min3A_320 = vector.multi_reduction <minimumf>, %select_n3A_318, %reduce_min3A_319 [1] : vector<256x2048xf32> to vector<256xf32>
    %broadcast_in_dim3A_321 = vector.shape_cast %reduce_min3A_320 : vector<256xf32> to vector<256x1xf32>
    %eq3A_322 = vector.broadcast %broadcast_in_dim3A_321 : vector<256x1xf32> to vector<256x2048xf32>
    %eq3A_323 = arith.cmpf oeq, %select_n3A_307, %eq3A_322 : vector<256x2048xf32>
    %select_n3A_324 = arith.select %eq3A_323, %select_n3A_310, %select_n3A_306 : vector<256x2048xi1>, vector<256x2048xf32>
    %select_n3A_325 = arith.select %eq3A_323, %select_n3A_96, %select_n3A_307 : vector<256x2048xi1>, vector<256x2048xf32>
    %jit3A_326 = arith.constant 0x7F800000 : f32
    %broadcast_in_dim3A_327 = vector.broadcast %jit3A_326 : f32 to vector<256x2048xf32>
    %select_n3A_328 = arith.select %eq3A_323, %broadcast_in_dim3A_327, %select_n3A_310 : vector<256x2048xi1>, vector<256x2048xf32>
    %reduce_min3A_329 = arith.constant dense<0x7F800000> : vector<256xf32>
    %reduce_min3A_330 = vector.multi_reduction <minimumf>, %select_n3A_324, %reduce_min3A_329 [1] : vector<256x2048xf32> to vector<256xf32>
    %broadcast_in_dim3A_331 = vector.shape_cast %reduce_min3A_330 : vector<256xf32> to vector<256x1xf32>
    %le3A_332 = vector.broadcast %broadcast_in_dim3A_331 : vector<256x1xf32> to vector<256x2048xf32>
    %le3A_333 = arith.cmpf ole, %select_n3A_324, %le3A_332 : vector<256x2048xf32>
    %jit3A_334 = arith.constant 0x7F800000 : f32
    %broadcast_in_dim3A_335 = vector.broadcast %jit3A_334 : f32 to vector<256x2048xf32>
    %select_n3A_336 = arith.select %le3A_333, %select_n3A_325, %broadcast_in_dim3A_335 : vector<256x2048xi1>, vector<256x2048xf32>
    %reduce_min3A_337 = arith.constant dense<0x7F800000> : vector<256xf32>
    %reduce_min3A_338 = vector.multi_reduction <minimumf>, %select_n3A_336, %reduce_min3A_337 [1] : vector<256x2048xf32> to vector<256xf32>
    %broadcast_in_dim3A_339 = vector.shape_cast %reduce_min3A_338 : vector<256xf32> to vector<256x1xf32>
    %eq3A_340 = vector.broadcast %broadcast_in_dim3A_339 : vector<256x1xf32> to vector<256x2048xf32>
    %eq3A_341 = arith.cmpf oeq, %select_n3A_325, %eq3A_340 : vector<256x2048xf32>
    %select_n3A_342 = arith.select %eq3A_341, %select_n3A_328, %select_n3A_324 : vector<256x2048xi1>, vector<256x2048xf32>
    %select_n3A_343 = arith.select %eq3A_341, %select_n3A_96, %select_n3A_325 : vector<256x2048xi1>, vector<256x2048xf32>
    %jit3A_344 = arith.constant 0x7F800000 : f32
    %broadcast_in_dim3A_345 = vector.broadcast %jit3A_344 : f32 to vector<256x2048xf32>
    %select_n3A_346 = arith.select %eq3A_341, %broadcast_in_dim3A_345, %select_n3A_328 : vector<256x2048xi1>, vector<256x2048xf32>
    %reduce_min3A_347 = arith.constant dense<0x7F800000> : vector<256xf32>
    %reduce_min3A_348 = vector.multi_reduction <minimumf>, %select_n3A_342, %reduce_min3A_347 [1] : vector<256x2048xf32> to vector<256xf32>
    %broadcast_in_dim3A_349 = vector.shape_cast %reduce_min3A_348 : vector<256xf32> to vector<256x1xf32>
    %le3A_350 = vector.broadcast %broadcast_in_dim3A_349 : vector<256x1xf32> to vector<256x2048xf32>
    %le3A_351 = arith.cmpf ole, %select_n3A_342, %le3A_350 : vector<256x2048xf32>
    %jit3A_352 = arith.constant 0x7F800000 : f32
    %broadcast_in_dim3A_353 = vector.broadcast %jit3A_352 : f32 to vector<256x2048xf32>
    %select_n3A_354 = arith.select %le3A_351, %select_n3A_343, %broadcast_in_dim3A_353 : vector<256x2048xi1>, vector<256x2048xf32>
    %reduce_min3A_355 = arith.constant dense<0x7F800000> : vector<256xf32>
    %reduce_min3A_356 = vector.multi_reduction <minimumf>, %select_n3A_354, %reduce_min3A_355 [1] : vector<256x2048xf32> to vector<256xf32>
    %broadcast_in_dim3A_357 = vector.shape_cast %reduce_min3A_356 : vector<256xf32> to vector<256x1xf32>
    %eq3A_358 = vector.broadcast %broadcast_in_dim3A_357 : vector<256x1xf32> to vector<256x2048xf32>
    %eq3A_359 = arith.cmpf oeq, %select_n3A_343, %eq3A_358 : vector<256x2048xf32>
    %select_n3A_360 = arith.select %eq3A_359, %select_n3A_346, %select_n3A_342 : vector<256x2048xi1>, vector<256x2048xf32>
    %select_n3A_361 = arith.select %eq3A_359, %select_n3A_96, %select_n3A_343 : vector<256x2048xi1>, vector<256x2048xf32>
    %reduce_min3A_362 = arith.constant dense<0x7F800000> : vector<256xf32>
    %reduce_min3A_363 = vector.multi_reduction <minimumf>, %select_n3A_360, %reduce_min3A_362 [1] : vector<256x2048xf32> to vector<256xf32>
    %broadcast_in_dim3A_364 = vector.shape_cast %reduce_min3A_363 : vector<256xf32> to vector<256x1xf32>
    %le3A_365 = vector.broadcast %broadcast_in_dim3A_364 : vector<256x1xf32> to vector<256x2048xf32>
    %le3A_366 = arith.cmpf ole, %select_n3A_360, %le3A_365 : vector<256x2048xf32>
    %jit3A_367 = arith.constant 0x7F800000 : f32
    %broadcast_in_dim3A_368 = vector.broadcast %jit3A_367 : f32 to vector<256x2048xf32>
    %select_n3A_369 = arith.select %le3A_366, %select_n3A_361, %broadcast_in_dim3A_368 : vector<256x2048xi1>, vector<256x2048xf32>
    %reduce_min3A_370 = arith.constant dense<0x7F800000> : vector<256xf32>
    %reduce_min3A_371 = vector.multi_reduction <minimumf>, %select_n3A_369, %reduce_min3A_370 [1] : vector<256x2048xf32> to vector<256xf32>
    %broadcast_in_dim3A_372 = vector.shape_cast %reduce_min3A_371 : vector<256xf32> to vector<256x1xf32>
    %transpose3A = tpu.transpose %broadcast_in_dim3A_105, [1, 0] : vector<256x1xf32> -> vector<1x256xf32>
    %transpose3A_373 = tpu.transpose %broadcast_in_dim3A_123, [1, 0] : vector<256x1xf32> -> vector<1x256xf32>
    %transpose3A_374 = tpu.transpose %broadcast_in_dim3A_141, [1, 0] : vector<256x1xf32> -> vector<1x256xf32>
    %transpose3A_375 = tpu.transpose %broadcast_in_dim3A_159, [1, 0] : vector<256x1xf32> -> vector<1x256xf32>
    %transpose3A_376 = tpu.transpose %broadcast_in_dim3A_177, [1, 0] : vector<256x1xf32> -> vector<1x256xf32>
    %transpose3A_377 = tpu.transpose %broadcast_in_dim3A_195, [1, 0] : vector<256x1xf32> -> vector<1x256xf32>
    %transpose3A_378 = tpu.transpose %broadcast_in_dim3A_213, [1, 0] : vector<256x1xf32> -> vector<1x256xf32>
    %transpose3A_379 = tpu.transpose %broadcast_in_dim3A_231, [1, 0] : vector<256x1xf32> -> vector<1x256xf32>
    %transpose3A_380 = tpu.transpose %broadcast_in_dim3A_249, [1, 0] : vector<256x1xf32> -> vector<1x256xf32>
    %transpose3A_381 = tpu.transpose %broadcast_in_dim3A_267, [1, 0] : vector<256x1xf32> -> vector<1x256xf32>
    %transpose3A_382 = tpu.transpose %broadcast_in_dim3A_285, [1, 0] : vector<256x1xf32> -> vector<1x256xf32>
    %transpose3A_383 = tpu.transpose %broadcast_in_dim3A_303, [1, 0] : vector<256x1xf32> -> vector<1x256xf32>
    %transpose3A_384 = tpu.transpose %broadcast_in_dim3A_321, [1, 0] : vector<256x1xf32> -> vector<1x256xf32>
    %transpose3A_385 = tpu.transpose %broadcast_in_dim3A_339, [1, 0] : vector<256x1xf32> -> vector<1x256xf32>
    %transpose3A_386 = tpu.transpose %broadcast_in_dim3A_357, [1, 0] : vector<256x1xf32> -> vector<1x256xf32>
    %transpose3A_387 = tpu.transpose %broadcast_in_dim3A_372, [1, 0] : vector<256x1xf32> -> vector<1x256xf32>
    %concatenate3A = tpu.concatenate %transpose3A, %transpose3A_373, %transpose3A_374, %transpose3A_375, %transpose3A_376, %transpose3A_377, %transpose3A_378, %transpose3A_379, %transpose3A_380, %transpose3A_381, %transpose3A_382, %transpose3A_383, %transpose3A_384, %transpose3A_385, %transpose3A_386, %transpose3A_387 in 0 : vector<1x256xf32>, vector<1x256xf32>, vector<1x256xf32>, vector<1x256xf32>, vector<1x256xf32>, vector<1x256xf32>, vector<1x256xf32>, vector<1x256xf32>, vector<1x256xf32>, vector<1x256xf32>, vector<1x256xf32>, vector<1x256xf32>, vector<1x256xf32>, vector<1x256xf32>, vector<1x256xf32>, vector<1x256xf32> -> vector<16x256xf32>
    %convert_element_type3A_388 = arith.fptosi %concatenate3A : vector<16x256xf32> to vector<16x256xi32>
    %mul3A_389 = arith.constant 4096 : i32
    %mul3A_390 = arith.muli %arg0, %mul3A_389 : i32
    %add3A_391 = vector.broadcast %mul3A_390 : i32 to vector<16x256xi32>
    %add3A_392 = arith.addi %convert_element_type3A_388, %add3A_391 : vector<16x256xi32>
    %swap3A_393 = arith.constant 0 : index
    %swap3A_394 = arith.constant 0 : index
    %swap3A_395 = arith.constant 0 : index
    %swap3A_396 = vector.load %arg15[%swap3A_393, %swap3A_394, %swap3A_395] : memref<1x16x256xi32, #tpu.memory_space<vmem>>, vector<1x16x256xi32>
    %swap3A_397 = vector.shape_cast %swap3A_396 : vector<1x16x256xi32> to vector<16x256xi32>
    %swap3A_398 = vector.shape_cast %add3A_392 : vector<16x256xi32> to vector<1x16x256xi32>
    tpu.vector_store %arg15[%swap3A_393, %swap3A_394, %swap3A_395], %swap3A_398 {strides = array<i32>} : memref<1x16x256xi32, #tpu.memory_space<vmem>>, vector<1x16x256xi32>,
    return
  }
  func.func @transform_0(%arg0: i32, %arg1: i32) -> (i32, i32, i32) {
    %c0_i32 = arith.constant 0 : i32
    %c0_i32_0 = arith.constant 0 : i32
    return %arg0, %arg1, %c0_i32 : i32, i32, i32
  }
  func.func @transform_1(%arg0: i32, %arg1: i32) -> (i32, i32, i32) {
    %c0_i32 = arith.constant 0 : i32
    %c0_i32_0 = arith.constant 0 : i32
    return %arg0, %arg1, %c0_i32 : i32, i32, i32
  }
  func.func @transform_2(%arg0: i32, %arg1: i32) -> (i32, i32, i32) {
    %c0_i32 = arith.constant 0 : i32
    %c0_i32_0 = arith.constant 0 : i32
    %c0_i32_1 = arith.constant 0 : i32
    return %arg0, %c0_i32, %c0_i32_0 : i32, i32, i32
  }
  func.func @transform_3(%arg0: i32, %arg1: i32) -> (i32, i32) {
    %c0_i32 = arith.constant 0 : i32
    %c0_i32_0 = arith.constant 0 : i32
    %c0_i32_1 = arith.constant 0 : i32
    return %c0_i32, %c0_i32_0 : i32, i32
  }
  func.func @transform_4(%arg0: i32, %arg1: i32) -> (i32, i32) {
    %c0_i32 = arith.constant 0 : i32
    %c0_i32_0 = arith.constant 0 : i32
    %c0_i32_1 = arith.constant 0 : i32
    return %c0_i32, %c0_i32_0 : i32, i32
  }
  func.func @transform_5(%arg0: i32, %arg1: i32) -> (i32, i32) {
    %c0_i32 = arith.constant 0 : i32
    %c0_i32_0 = arith.constant 0 : i32
    %c0_i32_1 = arith.constant 0 : i32
    return %c0_i32, %c0_i32_0 : i32, i32
  }
  func.func @transform_6(%arg0: i32, %arg1: i32) -> (i32, i32) {
    %c0_i32 = arith.constant 0 : i32
    %c0_i32_0 = arith.constant 0 : i32
    %c0_i32_1 = arith.constant 0 : i32
    return %c0_i32, %c0_i32_0 : i32, i32
  }
  func.func @transform_7(%arg0: i32, %arg1: i32) -> (i32, i32) {
    %c0_i32 = arith.constant 0 : i32
    %c0_i32_0 = arith.constant 0 : i32
    %c0_i32_1 = arith.constant 0 : i32
    return %c0_i32, %c0_i32_0 : i32, i32
  }
  func.func @transform_8(%arg0: i32, %arg1: i32) -> (i32, i32) {
    %c0_i32 = arith.constant 0 : i32
    %c0_i32_0 = arith.constant 0 : i32
    %c0_i32_1 = arith.constant 0 : i32
    return %c0_i32, %c0_i32_0 : i32, i32
  }
  func.func @transform_9(%arg0: i32, %arg1: i32) -> (i32, i32) {
    %c0_i32 = arith.constant 0 : i32
    %c0_i32_0 = arith.constant 0 : i32
    %c0_i32_1 = arith.constant 0 : i32
    return %c0_i32, %c0_i32_0 : i32, i32
  }
  func.func @transform_10(%arg0: i32, %arg1: i32) -> (i32, i32, i32) {
    %c0_i32 = arith.constant 0 : i32
    %c0_i32_0 = arith.constant 0 : i32
    return %arg0, %arg1, %c0_i32 : i32, i32, i32
  }
  func.func @transform_11(%arg0: i32, %arg1: i32) -> (i32, i32, i32) {
    %c0_i32 = arith.constant 0 : i32
    %c0_i32_0 = arith.constant 0 : i32
    return %arg0, %arg1, %c0_i32 : i32, i32, i32
  }
  func.func @transform_12(%arg0: i32, %arg1: i32) -> (i32, i32, i32) {
    %c0_i32 = arith.constant 0 : i32
    %c0_i32_0 = arith.constant 0 : i32
    return %arg0, %arg1, %c0_i32 : i32, i32, i32
  }
  func.func @transform_13(%arg0: i32, %arg1: i32) -> (i32, i32, i32) {
    %c0_i32 = arith.constant 0 : i32
    %c0_i32_0 = arith.constant 0 : i32
    return %arg0, %c0_i32, %arg1 : i32, i32, i32
  }
}

module attributes {stable_mosaic.version = 14 : i64} {
  func.func @_k34_body(%arg0: i32, %arg1: i32, %arg2: memref<1x256x128xf32, #tpu.memory_space<vmem>>, %arg3: memref<1x256x128xf32, #tpu.memory_space<vmem>>, %arg4: memref<1x16x256x128xf32, #tpu.memory_space<vmem>>, %arg5: memref<1x1024x128xf32, #tpu.memory_space<vmem>>, %arg6: memref<128x128xf32, #tpu.memory_space<vmem>>, %arg7: memref<1x128xf32, #tpu.memory_space<vmem>>, %arg8: memref<128x256xf32, #tpu.memory_space<vmem>>, %arg9: memref<128x256xf32, #tpu.memory_space<vmem>>, %arg10: memref<1x256xf32, #tpu.memory_space<vmem>>, %arg11: memref<128x128xf32, #tpu.memory_space<vmem>>, %arg12: memref<128x128xf32, #tpu.memory_space<vmem>>, %arg13: memref<256x128xf32, #tpu.memory_space<vmem>>, %arg14: memref<1x128xf32, #tpu.memory_space<vmem>>, %arg15: memref<128x50xf32, #tpu.memory_space<vmem>>, %arg16: memref<1x50xf32, #tpu.memory_space<vmem>>, %arg17: memref<128x128xf32, #tpu.memory_space<vmem>>, %arg18: memref<128x128xf32, #tpu.memory_space<vmem>>, %arg19: memref<256x128xf32, #tpu.memory_space<vmem>>, %arg20: memref<1x128xf32, #tpu.memory_space<vmem>>, %arg21: memref<128x16xf32, #tpu.memory_space<vmem>>, %arg22: memref<1x16xf32, #tpu.memory_space<vmem>>, %arg23: memref<1x1024x50xf32, #tpu.memory_space<vmem>>, %arg24: memref<1x1024x16xf32, #tpu.memory_space<vmem>>, %arg25: memref<4096x128xf32, #tpu.memory_space<vmem>>, %arg26: memref<1x256xf32, #tpu.memory_space<vmem>>) attributes {dimension_semantics = [#tpu.dimension_semantics<parallel>, #tpu.dimension_semantics<arbitrary>], iteration_bounds = array<i64: 1, 20>, scalar_prefetch = 0 : i64, scratch_operands = 2 : i64, tpu.core_type = #tpu.core_type<tc>, window_params = [{transform_indices = @transform_0, window_bounds = array<i64: 1, 256, 128>}, {transform_indices = @transform_1, window_bounds = array<i64: 1, 256, 128>}, {transform_indices = @transform_2, window_bounds = array<i64: 1, 16, 256, 128>}, {transform_indices = @transform_3, window_bounds = array<i64: 1, 1024, 128>}, {pipeline_mode = #tpu.pipeline_mode<synchronous>, transform_indices = @transform_4, window_bounds = array<i64: 128, 128>}, {pipeline_mode = #tpu.pipeline_mode<synchronous>, transform_indices = @transform_5, window_bounds = array<i64: 1, 128>}, {pipeline_mode = #tpu.pipeline_mode<synchronous>, transform_indices = @transform_6, window_bounds = array<i64: 128, 256>}, {pipeline_mode = #tpu.pipeline_mode<synchronous>, transform_indices = @transform_7, window_bounds = array<i64: 128, 256>}, {pipeline_mode = #tpu.pipeline_mode<synchronous>, transform_indices = @transform_8, window_bounds = array<i64: 1, 256>}, {pipeline_mode = #tpu.pipeline_mode<synchronous>, transform_indices = @transform_9, window_bounds = array<i64: 128, 128>}, {pipeline_mode = #tpu.pipeline_mode<synchronous>, transform_indices = @transform_10, window_bounds = array<i64: 128, 128>}, {pipeline_mode = #tpu.pipeline_mode<synchronous>, transform_indices = @transform_11, window_bounds = array<i64: 256, 128>}, {pipeline_mode = #tpu.pipeline_mode<synchronous>, transform_indices = @transform_12, window_bounds = array<i64: 1, 128>}, {pipeline_mode = #tpu.pipeline_mode<synchronous>, transform_indices = @transform_13, window_bounds = array<i64: 128, 50>}, {pipeline_mode = #tpu.pipeline_mode<synchronous>, transform_indices = @transform_14, window_bounds = array<i64: 1, 50>}, {pipeline_mode = #tpu.pipeline_mode<synchronous>, transform_indices = @transform_15, window_bounds = array<i64: 128, 128>}, {pipeline_mode = #tpu.pipeline_mode<synchronous>, transform_indices = @transform_16, window_bounds = array<i64: 128, 128>}, {pipeline_mode = #tpu.pipeline_mode<synchronous>, transform_indices = @transform_17, window_bounds = array<i64: 256, 128>}, {pipeline_mode = #tpu.pipeline_mode<synchronous>, transform_indices = @transform_18, window_bounds = array<i64: 1, 128>}, {pipeline_mode = #tpu.pipeline_mode<synchronous>, transform_indices = @transform_19, window_bounds = array<i64: 128, 16>}, {pipeline_mode = #tpu.pipeline_mode<synchronous>, transform_indices = @transform_20, window_bounds = array<i64: 1, 16>}, {transform_indices = @transform_21, window_bounds = array<i64: 1, 1024, 50>}, {transform_indices = @transform_22, window_bounds = array<i64: 1, 1024, 16>}]} {
    %lt3A = arith.constant 16 : i32
    %lt3A_0 = arith.cmpi slt, %arg1, %lt3A : i32
    %convert_element_type3A = arith.extui %lt3A_0 : i1 to i32
    %cond3A = arith.constant 0 : i32
    %cond3A_1 = arith.cmpi ne, %convert_element_type3A, %cond3A : i32
    scf.if %cond3A_1 {
      %get3A = arith.constant 0 : index
      %get3A_6 = arith.constant 0 : index
      %get3A_7 = arith.constant 0 : index
      %get3A_8 = vector.load %arg2[%get3A, %get3A_6, %get3A_7] : memref<1x256x128xf32, #tpu.memory_space<vmem>>, vector<1x256x128xf32>
      %get3A_9 = vector.shape_cast %get3A_8 : vector<1x256x128xf32> to vector<256x128xf32>
      %broadcast_in_dim3A = vector.shape_cast %get3A_9 : vector<256x128xf32> to vector<1x256x128xf32>
      %get3A_10 = arith.constant 0 : index
      %get3A_11 = arith.constant 0 : index
      %get3A_12 = arith.constant 0 : index
      %get3A_13 = arith.constant 0 : index
      %get3A_14 = vector.load %arg4[%get3A_10, %get3A_11, %get3A_12, %get3A_13] : memref<1x16x256x128xf32, #tpu.memory_space<vmem>>, vector<1x16x256x128xf32>
      %get3A_15 = vector.shape_cast %get3A_14 : vector<1x16x256x128xf32> to vector<16x256x128xf32>
      %add3A = vector.broadcast %broadcast_in_dim3A : vector<1x256x128xf32> to vector<16x256x128xf32>
      %add3A_16 = arith.addf %add3A, %get3A_15 : vector<16x256x128xf32>
      %max3A = arith.constant 0.000000e+00 : f32
      %max3A_17 = vector.broadcast %max3A : f32 to vector<16x256x128xf32>
      %max3A_18 = arith.maximumf %add3A_16, %max3A_17 : vector<16x256x128xf32>
      %reshape3A = vector.shape_cast %max3A_18 : vector<16x256x128xf32> to vector<4096x128xf32>
      %get3A_19 = arith.constant 0 : index
      %get3A_20 = arith.constant 0 : index
      %get3A_21 = vector.load %arg6[%get3A_19, %get3A_20] : memref<128x128xf32, #tpu.memory_space<vmem>>, vector<128x128xf32>
      %dot_general3A = arith.constant dense<0.000000e+00> : vector<4096x128xf32>
      %dot_general3A_22 = tpu.matmul %reshape3A, %get3A_21, %dot_general3A {dimension_numbers = #tpu.dot_dimension_numbers<[1], [0], [0], [1], [0, 0, 1, 1], [], []>, transpose_lhs_hint = false} : vector<4096x128xf32>, vector<128x128xf32>, vector<4096x128xf32> -> vector<4096x128xf32>
      %get3A_23 = arith.constant 0 : index
      %get3A_24 = arith.constant 0 : index
      %get3A_25 = vector.load %arg7[%get3A_23, %get3A_24] : memref<1x128xf32, #tpu.memory_space<vmem>>, vector<1x128xf32>
      %add3A_26 = vector.broadcast %get3A_25 : vector<1x128xf32> to vector<4096x128xf32>
      %add3A_27 = arith.addf %dot_general3A_22, %add3A_26 : vector<4096x128xf32>
      %max3A_28 = arith.constant 0.000000e+00 : f32
      %max3A_29 = vector.broadcast %max3A_28 : f32 to vector<4096x128xf32>
      %max3A_30 = arith.maximumf %add3A_27, %max3A_29 : vector<4096x128xf32>
      %slice3A = vector.extract_strided_slice %max3A_30 {offsets = [0, 0], sizes = [256, 128], strides = [1, 1]} : vector<4096x128xf32> to vector<256x128xf32>
      %slice3A_31 = vector.extract_strided_slice %max3A_30 {offsets = [256, 0], sizes = [256, 128], strides = [1, 1]} : vector<4096x128xf32> to vector<256x128xf32>
      %slice3A_32 = vector.extract_strided_slice %max3A_30 {offsets = [512, 0], sizes = [256, 128], strides = [1, 1]} : vector<4096x128xf32> to vector<256x128xf32>
      %slice3A_33 = vector.extract_strided_slice %max3A_30 {offsets = [768, 0], sizes = [256, 128], strides = [1, 1]} : vector<4096x128xf32> to vector<256x128xf32>
      %slice3A_34 = vector.extract_strided_slice %max3A_30 {offsets = [1024, 0], sizes = [256, 128], strides = [1, 1]} : vector<4096x128xf32> to vector<256x128xf32>
      %slice3A_35 = vector.extract_strided_slice %max3A_30 {offsets = [1280, 0], sizes = [256, 128], strides = [1, 1]} : vector<4096x128xf32> to vector<256x128xf32>
      %slice3A_36 = vector.extract_strided_slice %max3A_30 {offsets = [1536, 0], sizes = [256, 128], strides = [1, 1]} : vector<4096x128xf32> to vector<256x128xf32>
      %slice3A_37 = vector.extract_strided_slice %max3A_30 {offsets = [1792, 0], sizes = [256, 128], strides = [1, 1]} : vector<4096x128xf32> to vector<256x128xf32>
      %slice3A_38 = vector.extract_strided_slice %max3A_30 {offsets = [2048, 0], sizes = [256, 128], strides = [1, 1]} : vector<4096x128xf32> to vector<256x128xf32>
      %slice3A_39 = vector.extract_strided_slice %max3A_30 {offsets = [2304, 0], sizes = [256, 128], strides = [1, 1]} : vector<4096x128xf32> to vector<256x128xf32>
      %slice3A_40 = vector.extract_strided_slice %max3A_30 {offsets = [2560, 0], sizes = [256, 128], strides = [1, 1]} : vector<4096x128xf32> to vector<256x128xf32>
      %slice3A_41 = vector.extract_strided_slice %max3A_30 {offsets = [2816, 0], sizes = [256, 128], strides = [1, 1]} : vector<4096x128xf32> to vector<256x128xf32>
      %slice3A_42 = vector.extract_strided_slice %max3A_30 {offsets = [3072, 0], sizes = [256, 128], strides = [1, 1]} : vector<4096x128xf32> to vector<256x128xf32>
      %slice3A_43 = vector.extract_strided_slice %max3A_30 {offsets = [3328, 0], sizes = [256, 128], strides = [1, 1]} : vector<4096x128xf32> to vector<256x128xf32>
      %slice3A_44 = vector.extract_strided_slice %max3A_30 {offsets = [3584, 0], sizes = [256, 128], strides = [1, 1]} : vector<4096x128xf32> to vector<256x128xf32>
      %slice3A_45 = vector.extract_strided_slice %max3A_30 {offsets = [3840, 0], sizes = [256, 128], strides = [1, 1]} : vector<4096x128xf32> to vector<256x128xf32>
      %max3A_46 = arith.maximumf %slice3A, %slice3A_31 : vector<256x128xf32>
      %max3A_47 = arith.maximumf %slice3A_32, %slice3A_33 : vector<256x128xf32>
      %max3A_48 = arith.maximumf %slice3A_34, %slice3A_35 : vector<256x128xf32>
      %max3A_49 = arith.maximumf %slice3A_36, %slice3A_37 : vector<256x128xf32>
      %max3A_50 = arith.maximumf %slice3A_38, %slice3A_39 : vector<256x128xf32>
      %max3A_51 = arith.maximumf %slice3A_40, %slice3A_41 : vector<256x128xf32>
      %max3A_52 = arith.maximumf %slice3A_42, %slice3A_43 : vector<256x128xf32>
      %max3A_53 = arith.maximumf %slice3A_44, %slice3A_45 : vector<256x128xf32>
      %max3A_54 = arith.maximumf %max3A_46, %max3A_47 : vector<256x128xf32>
      %max3A_55 = arith.maximumf %max3A_48, %max3A_49 : vector<256x128xf32>
      %max3A_56 = arith.maximumf %max3A_50, %max3A_51 : vector<256x128xf32>
      %max3A_57 = arith.maximumf %max3A_52, %max3A_53 : vector<256x128xf32>
      %max3A_58 = arith.maximumf %max3A_54, %max3A_55 : vector<256x128xf32>
      %max3A_59 = arith.maximumf %max3A_56, %max3A_57 : vector<256x128xf32>
      %max3A_60 = arith.maximumf %max3A_58, %max3A_59 : vector<256x128xf32>
      %mul3A = arith.constant 256 : i32
      %mul3A_61 = arith.muli %arg1, %mul3A : i32
      %swap3A = arith.index_cast %mul3A_61 : i32 to index
      %swap3A_62 = arith.constant 0 : index
      %swap3A_63 = vector.load %arg25[%swap3A, %swap3A_62] : memref<4096x128xf32, #tpu.memory_space<vmem>>, vector<256x128xf32>
      tpu.vector_store %arg25[%swap3A, %swap3A_62], %max3A_60 {strides = array<i32>} : memref<4096x128xf32, #tpu.memory_space<vmem>>, vector<256x128xf32>,
      %get3A_64 = arith.constant 0 : index
      %get3A_65 = arith.constant 0 : index
      %get3A_66 = arith.constant 0 : index
      %get3A_67 = vector.load %arg3[%get3A_64, %get3A_65, %get3A_66] : memref<1x256x128xf32, #tpu.memory_space<vmem>>, vector<1x256x128xf32>
      %get3A_68 = vector.shape_cast %get3A_67 : vector<1x256x128xf32> to vector<256x128xf32>
      %get3A_69 = arith.constant 0 : index
      %get3A_70 = arith.constant 0 : index
      %get3A_71 = vector.load %arg8[%get3A_69, %get3A_70] : memref<128x256xf32, #tpu.memory_space<vmem>>, vector<128x256xf32>
      %dot_general3A_72 = arith.constant dense<0.000000e+00> : vector<256x256xf32>
      %dot_general3A_73 = tpu.matmul %get3A_68, %get3A_71, %dot_general3A_72 {dimension_numbers = #tpu.dot_dimension_numbers<[1], [0], [0], [1], [0, 0, 1, 1], [], []>, transpose_lhs_hint = false} : vector<256x128xf32>, vector<128x256xf32>, vector<256x256xf32> -> vector<256x256xf32>
      %get3A_74 = arith.constant 0 : index
      %get3A_75 = arith.constant 0 : index
      %get3A_76 = vector.load %arg9[%get3A_74, %get3A_75] : memref<128x256xf32, #tpu.memory_space<vmem>>, vector<128x256xf32>
      %dot_general3A_77 = arith.constant dense<0.000000e+00> : vector<256x256xf32>
      %dot_general3A_78 = tpu.matmul %max3A_60, %get3A_76, %dot_general3A_77 {dimension_numbers = #tpu.dot_dimension_numbers<[1], [0], [0], [1], [0, 0, 1, 1], [], []>, transpose_lhs_hint = false} : vector<256x128xf32>, vector<128x256xf32>, vector<256x256xf32> -> vector<256x256xf32>
      %add3A_79 = arith.addf %dot_general3A_73, %dot_general3A_78 : vector<256x256xf32>
      %get3A_80 = arith.constant 0 : index
      %get3A_81 = arith.constant 0 : index
      %get3A_82 = vector.load %arg10[%get3A_80, %get3A_81] : memref<1x256xf32, #tpu.memory_space<vmem>>, vector<1x256xf32>
      %add3A_83 = vector.broadcast %get3A_82 : vector<1x256xf32> to vector<256x256xf32>
      %add3A_84 = arith.addf %add3A_79, %add3A_83 : vector<256x256xf32>
      %max3A_85 = arith.constant 0.000000e+00 : f32
      %max3A_86 = vector.broadcast %max3A_85 : f32 to vector<256x256xf32>
      %max3A_87 = arith.maximumf %add3A_84, %max3A_86 : vector<256x256xf32>
      %reduce_max3A = arith.constant dense<0xFF800000> : vector<256xf32>
      %reduce_max3A_88 = vector.multi_reduction <maximumf>, %max3A_87, %reduce_max3A [0] : vector<256x256xf32> to vector<256xf32>
      %broadcast_in_dim3A_89 = vector.shape_cast %reduce_max3A_88 : vector<256xf32> to vector<1x256xf32>
      %eq3A = arith.constant 0 : i32
      %eq3A_90 = arith.cmpi eq, %arg1, %eq3A : i32
      %convert_element_type3A_91 = arith.extui %eq3A_90 : i1 to i32
      %cond3A_92 = arith.constant 0 : i32
      %cond3A_93 = arith.cmpi ne, %convert_element_type3A_91, %cond3A_92 : i32
      scf.if %cond3A_93 {
        %swap3A_98 = arith.constant 0 : index
        %swap3A_99 = arith.constant 0 : index
        %swap3A_100 = vector.load %arg26[%swap3A_98, %swap3A_99] : memref<1x256xf32, #tpu.memory_space<vmem>>, vector<1x256xf32>
        tpu.vector_store %arg26[%swap3A_98, %swap3A_99], %broadcast_in_dim3A_89 {strides = array<i32>} : memref<1x256xf32, #tpu.memory_space<vmem>>, vector<1x256xf32>,
      } else {
      }
      %ne3A = arith.constant 0 : i32
      %ne3A_94 = arith.cmpi ne, %arg1, %ne3A : i32
      %convert_element_type3A_95 = arith.extui %ne3A_94 : i1 to i32
      %cond3A_96 = arith.constant 0 : i32
      %cond3A_97 = arith.cmpi ne, %convert_element_type3A_95, %cond3A_96 : i32
      scf.if %cond3A_97 {
        %get3A_98 = arith.constant 0 : index
        %get3A_99 = arith.constant 0 : index
        %get3A_100 = vector.load %arg26[%get3A_98, %get3A_99] : memref<1x256xf32, #tpu.memory_space<vmem>>, vector<1x256xf32>
        %max3A_101 = arith.maximumf %get3A_100, %broadcast_in_dim3A_89 : vector<1x256xf32>
        %swap3A_102 = arith.constant 0 : index
        %swap3A_103 = arith.constant 0 : index
        %swap3A_104 = vector.load %arg26[%swap3A_102, %swap3A_103] : memref<1x256xf32, #tpu.memory_space<vmem>>, vector<1x256xf32>
        tpu.vector_store %arg26[%swap3A_102, %swap3A_103], %max3A_101 {strides = array<i32>} : memref<1x256xf32, #tpu.memory_space<vmem>>, vector<1x256xf32>,
      } else {
      }
    } else {
    }
    %ge3A = arith.constant 16 : i32
    %ge3A_2 = arith.cmpi sge, %arg1, %ge3A : i32
    %convert_element_type3A_3 = arith.extui %ge3A_2 : i1 to i32
    %cond3A_4 = arith.constant 0 : i32
    %cond3A_5 = arith.cmpi ne, %convert_element_type3A_3, %cond3A_4 : i32
    scf.if %cond3A_5 {
      %sub3A = arith.constant 16 : i32
      %sub3A_6 = arith.subi %arg1, %sub3A : i32
      %get3A = arith.constant 0 : index
      %get3A_7 = arith.constant 0 : index
      %get3A_8 = vector.load %arg26[%get3A, %get3A_7] : memref<1x256xf32, #tpu.memory_space<vmem>>, vector<1x256xf32>
      %get3A_9 = arith.constant 0 : index
      %get3A_10 = arith.constant 0 : index
      %get3A_11 = vector.load %arg13[%get3A_9, %get3A_10] : memref<256x128xf32, #tpu.memory_space<vmem>>, vector<256x128xf32>
      %dot_general3A = arith.constant dense<0.000000e+00> : vector<1x128xf32>
      %dot_general3A_12 = tpu.matmul %get3A_8, %get3A_11, %dot_general3A {dimension_numbers = #tpu.dot_dimension_numbers<[1], [0], [0], [1], [0, 0, 1, 1], [], []>, transpose_lhs_hint = false} : vector<1x256xf32>, vector<256x128xf32>, vector<1x128xf32> -> vector<1x128xf32>
      %get3A_13 = arith.constant 0 : index
      %get3A_14 = arith.constant 0 : index
      %get3A_15 = vector.load %arg14[%get3A_13, %get3A_14] : memref<1x128xf32, #tpu.memory_space<vmem>>, vector<1x128xf32>
      %add3A = arith.addf %dot_general3A_12, %get3A_15 : vector<1x128xf32>
      %get3A_16 = arith.constant 0 : index
      %get3A_17 = arith.constant 0 : index
      %get3A_18 = vector.load %arg19[%get3A_16, %get3A_17] : memref<256x128xf32, #tpu.memory_space<vmem>>, vector<256x128xf32>
      %dot_general3A_19 = arith.constant dense<0.000000e+00> : vector<1x128xf32>
      %dot_general3A_20 = tpu.matmul %get3A_8, %get3A_18, %dot_general3A_19 {dimension_numbers = #tpu.dot_dimension_numbers<[1], [0], [0], [1], [0, 0, 1, 1], [], []>, transpose_lhs_hint = false} : vector<1x256xf32>, vector<256x128xf32>, vector<1x128xf32> -> vector<1x128xf32>
      %get3A_21 = arith.constant 0 : index
      %get3A_22 = arith.constant 0 : index
      %get3A_23 = vector.load %arg20[%get3A_21, %get3A_22] : memref<1x128xf32, #tpu.memory_space<vmem>>, vector<1x128xf32>
      %add3A_24 = arith.addf %dot_general3A_20, %get3A_23 : vector<1x128xf32>
      %get3A_25 = arith.constant 0 : index
      %get3A_26 = arith.constant 0 : index
      %get3A_27 = arith.constant 0 : index
      %get3A_28 = vector.load %arg5[%get3A_25, %get3A_26, %get3A_27] : memref<1x1024x128xf32, #tpu.memory_space<vmem>>, vector<1x1024x128xf32>
      %get3A_29 = vector.shape_cast %get3A_28 : vector<1x1024x128xf32> to vector<1024x128xf32>
      %mul3A = arith.constant 1024 : i32
      %mul3A_30 = arith.muli %sub3A_6, %mul3A : i32
      %get3A_31 = arith.index_cast %mul3A_30 : i32 to index
      %get3A_32 = arith.constant 0 : index
      %get3A_33 = vector.load %arg25[%get3A_31, %get3A_32] : memref<4096x128xf32, #tpu.memory_space<vmem>>, vector<1024x128xf32>
      %get3A_34 = arith.constant 0 : index
      %get3A_35 = arith.constant 0 : index
      %get3A_36 = vector.load %arg11[%get3A_34, %get3A_35] : memref<128x128xf32, #tpu.memory_space<vmem>>, vector<128x128xf32>
      %dot_general3A_37 = arith.constant dense<0.000000e+00> : vector<1024x128xf32>
      %dot_general3A_38 = tpu.matmul %get3A_29, %get3A_36, %dot_general3A_37 {dimension_numbers = #tpu.dot_dimension_numbers<[1], [0], [0], [1], [0, 0, 1, 1], [], []>, transpose_lhs_hint = false} : vector<1024x128xf32>, vector<128x128xf32>, vector<1024x128xf32> -> vector<1024x128xf32>
      %get3A_39 = arith.constant 0 : index
      %get3A_40 = arith.constant 0 : index
      %get3A_41 = vector.load %arg12[%get3A_39, %get3A_40] : memref<128x128xf32, #tpu.memory_space<vmem>>, vector<128x128xf32>
      %dot_general3A_42 = arith.constant dense<0.000000e+00> : vector<1024x128xf32>
      %dot_general3A_43 = tpu.matmul %get3A_33, %get3A_41, %dot_general3A_42 {dimension_numbers = #tpu.dot_dimension_numbers<[1], [0], [0], [1], [0, 0, 1, 1], [], []>, transpose_lhs_hint = false} : vector<1024x128xf32>, vector<128x128xf32>, vector<1024x128xf32> -> vector<1024x128xf32>
      %add3A_44 = arith.addf %dot_general3A_38, %dot_general3A_43 : vector<1024x128xf32>
      %add3A_45 = vector.broadcast %add3A : vector<1x128xf32> to vector<1024x128xf32>
      %add3A_46 = arith.addf %add3A_44, %add3A_45 : vector<1024x128xf32>
      %max3A = arith.constant 0.000000e+00 : f32
      %max3A_47 = vector.broadcast %max3A : f32 to vector<1024x128xf32>
      %max3A_48 = arith.maximumf %add3A_46, %max3A_47 : vector<1024x128xf32>
      %get3A_49 = arith.constant 0 : index
      %get3A_50 = arith.constant 0 : index
      %get3A_51 = vector.load %arg15[%get3A_49, %get3A_50] : memref<128x50xf32, #tpu.memory_space<vmem>>, vector<128x50xf32>
      %dot_general3A_52 = arith.constant dense<0.000000e+00> : vector<1024x50xf32>
      %dot_general3A_53 = tpu.matmul %max3A_48, %get3A_51, %dot_general3A_52 {dimension_numbers = #tpu.dot_dimension_numbers<[1], [0], [0], [1], [0, 0, 1, 1], [], []>, transpose_lhs_hint = false} : vector<1024x128xf32>, vector<128x50xf32>, vector<1024x50xf32> -> vector<1024x50xf32>
      %get3A_54 = arith.constant 0 : index
      %get3A_55 = arith.constant 0 : index
      %get3A_56 = vector.load %arg16[%get3A_54, %get3A_55] : memref<1x50xf32, #tpu.memory_space<vmem>>, vector<1x50xf32>
      %add3A_57 = vector.broadcast %get3A_56 : vector<1x50xf32> to vector<1024x50xf32>
      %add3A_58 = arith.addf %dot_general3A_53, %add3A_57 : vector<1024x50xf32>
      %swap3A = arith.constant 0 : index
      %swap3A_59 = arith.constant 0 : index
      %swap3A_60 = arith.constant 0 : index
      %swap3A_61 = vector.load %arg23[%swap3A, %swap3A_59, %swap3A_60] : memref<1x1024x50xf32, #tpu.memory_space<vmem>>, vector<1x1024x50xf32>
      %swap3A_62 = vector.shape_cast %swap3A_61 : vector<1x1024x50xf32> to vector<1024x50xf32>
      %swap3A_63 = vector.shape_cast %add3A_58 : vector<1024x50xf32> to vector<1x1024x50xf32>
      tpu.vector_store %arg23[%swap3A, %swap3A_59, %swap3A_60], %swap3A_63 {strides = array<i32>} : memref<1x1024x50xf32, #tpu.memory_space<vmem>>, vector<1x1024x50xf32>,
      %get3A_64 = arith.constant 0 : index
      %get3A_65 = arith.constant 0 : index
      %get3A_66 = vector.load %arg17[%get3A_64, %get3A_65] : memref<128x128xf32, #tpu.memory_space<vmem>>, vector<128x128xf32>
      %dot_general3A_67 = arith.constant dense<0.000000e+00> : vector<1024x128xf32>
      %dot_general3A_68 = tpu.matmul %get3A_29, %get3A_66, %dot_general3A_67 {dimension_numbers = #tpu.dot_dimension_numbers<[1], [0], [0], [1], [0, 0, 1, 1], [], []>, transpose_lhs_hint = false} : vector<1024x128xf32>, vector<128x128xf32>, vector<1024x128xf32> -> vector<1024x128xf32>
      %get3A_69 = arith.constant 0 : index
      %get3A_70 = arith.constant 0 : index
      %get3A_71 = vector.load %arg18[%get3A_69, %get3A_70] : memref<128x128xf32, #tpu.memory_space<vmem>>, vector<128x128xf32>
      %dot_general3A_72 = arith.constant dense<0.000000e+00> : vector<1024x128xf32>
      %dot_general3A_73 = tpu.matmul %get3A_33, %get3A_71, %dot_general3A_72 {dimension_numbers = #tpu.dot_dimension_numbers<[1], [0], [0], [1], [0, 0, 1, 1], [], []>, transpose_lhs_hint = false} : vector<1024x128xf32>, vector<128x128xf32>, vector<1024x128xf32> -> vector<1024x128xf32>
      %add3A_74 = arith.addf %dot_general3A_68, %dot_general3A_73 : vector<1024x128xf32>
      %add3A_75 = vector.broadcast %add3A_24 : vector<1x128xf32> to vector<1024x128xf32>
      %add3A_76 = arith.addf %add3A_74, %add3A_75 : vector<1024x128xf32>
      %max3A_77 = arith.constant 0.000000e+00 : f32
      %max3A_78 = vector.broadcast %max3A_77 : f32 to vector<1024x128xf32>
      %max3A_79 = arith.maximumf %add3A_76, %max3A_78 : vector<1024x128xf32>
      %get3A_80 = arith.constant 0 : index
      %get3A_81 = arith.constant 0 : index
      %get3A_82 = vector.load %arg21[%get3A_80, %get3A_81] : memref<128x16xf32, #tpu.memory_space<vmem>>, vector<128x16xf32>
      %dot_general3A_83 = arith.constant dense<0.000000e+00> : vector<1024x16xf32>
      %dot_general3A_84 = tpu.matmul %max3A_79, %get3A_82, %dot_general3A_83 {dimension_numbers = #tpu.dot_dimension_numbers<[1], [0], [0], [1], [0, 0, 1, 1], [], []>, transpose_lhs_hint = false} : vector<1024x128xf32>, vector<128x16xf32>, vector<1024x16xf32> -> vector<1024x16xf32>
      %get3A_85 = arith.constant 0 : index
      %get3A_86 = arith.constant 0 : index
      %get3A_87 = vector.load %arg22[%get3A_85, %get3A_86] : memref<1x16xf32, #tpu.memory_space<vmem>>, vector<1x16xf32>
      %add3A_88 = vector.broadcast %get3A_87 : vector<1x16xf32> to vector<1024x16xf32>
      %add3A_89 = arith.addf %dot_general3A_84, %add3A_88 : vector<1024x16xf32>
      %swap3A_90 = arith.constant 0 : index
      %swap3A_91 = arith.constant 0 : index
      %swap3A_92 = arith.constant 0 : index
      %swap3A_93 = vector.load %arg24[%swap3A_90, %swap3A_91, %swap3A_92] : memref<1x1024x16xf32, #tpu.memory_space<vmem>>, vector<1x1024x16xf32>
      %swap3A_94 = vector.shape_cast %swap3A_93 : vector<1x1024x16xf32> to vector<1024x16xf32>
      %swap3A_95 = vector.shape_cast %add3A_89 : vector<1024x16xf32> to vector<1x1024x16xf32>
      tpu.vector_store %arg24[%swap3A_90, %swap3A_91, %swap3A_92], %swap3A_95 {strides = array<i32>} : memref<1x1024x16xf32, #tpu.memory_space<vmem>>, vector<1x1024x16xf32>,
    } else {
    }
    return
  }
  func.func @transform_0(%arg0: i32, %arg1: i32) -> (i32, i32, i32) {
    %min3A = arith.constant 15 : i32
    %min3A_0 = arith.minsi %arg1, %min3A : i32
    %c0_i32 = arith.constant 0 : i32
    %c0_i32_1 = arith.constant 0 : i32
    return %arg0, %min3A_0, %c0_i32 : i32, i32, i32
  }
  func.func @transform_1(%arg0: i32, %arg1: i32) -> (i32, i32, i32) {
    %min3A = arith.constant 15 : i32
    %min3A_0 = arith.minsi %arg1, %min3A : i32
    %c0_i32 = arith.constant 0 : i32
    %c0_i32_1 = arith.constant 0 : i32
    return %arg0, %min3A_0, %c0_i32 : i32, i32, i32
  }
  func.func @transform_2(%arg0: i32, %arg1: i32) -> (i32, i32, i32, i32) {
    %min3A = arith.constant 15 : i32
    %min3A_0 = arith.minsi %arg1, %min3A : i32
    %c0_i32 = arith.constant 0 : i32
    %c0_i32_1 = arith.constant 0 : i32
    %c0_i32_2 = arith.constant 0 : i32
    return %arg0, %c0_i32, %min3A_0, %c0_i32_1 : i32, i32, i32, i32
  }
  func.func @transform_3(%arg0: i32, %arg1: i32) -> (i32, i32, i32) {
    %sub3A = arith.constant 16 : i32
    %sub3A_0 = arith.subi %arg1, %sub3A : i32
    %max3A = arith.constant 0 : i32
    %max3A_1 = arith.maxsi %sub3A_0, %max3A : i32
    %c0_i32 = arith.constant 0 : i32
    %c0_i32_2 = arith.constant 0 : i32
    return %arg0, %max3A_1, %c0_i32 : i32, i32, i32
  }
  func.func @transform_4(%arg0: i32, %arg1: i32) -> (i32, i32) {
    %c0_i32 = arith.constant 0 : i32
    %c0_i32_0 = arith.constant 0 : i32
    %c0_i32_1 = arith.constant 0 : i32
    return %c0_i32, %c0_i32_0 : i32, i32
  }
  func.func @transform_5(%arg0: i32, %arg1: i32) -> (i32, i32) {
    %c0_i32 = arith.constant 0 : i32
    %c0_i32_0 = arith.constant 0 : i32
    %c0_i32_1 = arith.constant 0 : i32
    return %c0_i32, %c0_i32_0 : i32, i32
  }
  func.func @transform_6(%arg0: i32, %arg1: i32) -> (i32, i32) {
    %c0_i32 = arith.constant 0 : i32
    %c0_i32_0 = arith.constant 0 : i32
    %c0_i32_1 = arith.constant 0 : i32
    return %c0_i32, %c0_i32_0 : i32, i32
  }
  func.func @transform_7(%arg0: i32, %arg1: i32) -> (i32, i32) {
    %c0_i32 = arith.constant 0 : i32
    %c0_i32_0 = arith.constant 0 : i32
    %c0_i32_1 = arith.constant 0 : i32
    return %c0_i32, %c0_i32_0 : i32, i32
  }
  func.func @transform_8(%arg0: i32, %arg1: i32) -> (i32, i32) {
    %c0_i32 = arith.constant 0 : i32
    %c0_i32_0 = arith.constant 0 : i32
    %c0_i32_1 = arith.constant 0 : i32
    return %c0_i32, %c0_i32_0 : i32, i32
  }
  func.func @transform_9(%arg0: i32, %arg1: i32) -> (i32, i32) {
    %c0_i32 = arith.constant 0 : i32
    %c0_i32_0 = arith.constant 0 : i32
    %c0_i32_1 = arith.constant 0 : i32
    return %c0_i32, %c0_i32_0 : i32, i32
  }
  func.func @transform_10(%arg0: i32, %arg1: i32) -> (i32, i32) {
    %c0_i32 = arith.constant 0 : i32
    %c0_i32_0 = arith.constant 0 : i32
    %c0_i32_1 = arith.constant 0 : i32
    return %c0_i32, %c0_i32_0 : i32, i32
  }
  func.func @transform_11(%arg0: i32, %arg1: i32) -> (i32, i32) {
    %c0_i32 = arith.constant 0 : i32
    %c0_i32_0 = arith.constant 0 : i32
    %c0_i32_1 = arith.constant 0 : i32
    return %c0_i32, %c0_i32_0 : i32, i32
  }
  func.func @transform_12(%arg0: i32, %arg1: i32) -> (i32, i32) {
    %c0_i32 = arith.constant 0 : i32
    %c0_i32_0 = arith.constant 0 : i32
    %c0_i32_1 = arith.constant 0 : i32
    return %c0_i32, %c0_i32_0 : i32, i32
  }
  func.func @transform_13(%arg0: i32, %arg1: i32) -> (i32, i32) {
    %c0_i32 = arith.constant 0 : i32
    %c0_i32_0 = arith.constant 0 : i32
    %c0_i32_1 = arith.constant 0 : i32
    return %c0_i32, %c0_i32_0 : i32, i32
  }
  func.func @transform_14(%arg0: i32, %arg1: i32) -> (i32, i32) {
    %c0_i32 = arith.constant 0 : i32
    %c0_i32_0 = arith.constant 0 : i32
    %c0_i32_1 = arith.constant 0 : i32
    return %c0_i32, %c0_i32_0 : i32, i32
  }
  func.func @transform_15(%arg0: i32, %arg1: i32) -> (i32, i32) {
    %c0_i32 = arith.constant 0 : i32
    %c0_i32_0 = arith.constant 0 : i32
    %c0_i32_1 = arith.constant 0 : i32
    return %c0_i32, %c0_i32_0 : i32, i32
  }
  func.func @transform_16(%arg0: i32, %arg1: i32) -> (i32, i32) {
    %c0_i32 = arith.constant 0 : i32
    %c0_i32_0 = arith.constant 0 : i32
    %c0_i32_1 = arith.constant 0 : i32
    return %c0_i32, %c0_i32_0 : i32, i32
  }
  func.func @transform_17(%arg0: i32, %arg1: i32) -> (i32, i32) {
    %c0_i32 = arith.constant 0 : i32
    %c0_i32_0 = arith.constant 0 : i32
    %c0_i32_1 = arith.constant 0 : i32
    return %c0_i32, %c0_i32_0 : i32, i32
  }
  func.func @transform_18(%arg0: i32, %arg1: i32) -> (i32, i32) {
    %c0_i32 = arith.constant 0 : i32
    %c0_i32_0 = arith.constant 0 : i32
    %c0_i32_1 = arith.constant 0 : i32
    return %c0_i32, %c0_i32_0 : i32, i32
  }
  func.func @transform_19(%arg0: i32, %arg1: i32) -> (i32, i32) {
    %c0_i32 = arith.constant 0 : i32
    %c0_i32_0 = arith.constant 0 : i32
    %c0_i32_1 = arith.constant 0 : i32
    return %c0_i32, %c0_i32_0 : i32, i32
  }
  func.func @transform_20(%arg0: i32, %arg1: i32) -> (i32, i32) {
    %c0_i32 = arith.constant 0 : i32
    %c0_i32_0 = arith.constant 0 : i32
    %c0_i32_1 = arith.constant 0 : i32
    return %c0_i32, %c0_i32_0 : i32, i32
  }
  func.func @transform_21(%arg0: i32, %arg1: i32) -> (i32, i32, i32) {
    %sub3A = arith.constant 16 : i32
    %sub3A_0 = arith.subi %arg1, %sub3A : i32
    %max3A = arith.constant 0 : i32
    %max3A_1 = arith.maxsi %sub3A_0, %max3A : i32
    %c0_i32 = arith.constant 0 : i32
    %c0_i32_2 = arith.constant 0 : i32
    return %arg0, %max3A_1, %c0_i32 : i32, i32, i32
  }
  func.func @transform_22(%arg0: i32, %arg1: i32) -> (i32, i32, i32) {
    %sub3A = arith.constant 16 : i32
    %sub3A_0 = arith.subi %arg1, %sub3A : i32
    %max3A = arith.constant 0 : i32
    %max3A_1 = arith.maxsi %sub3A_0, %max3A : i32
    %c0_i32 = arith.constant 0 : i32
    %c0_i32_2 = arith.constant 0 : i32
    return %arg0, %max3A_1, %c0_i32 : i32, i32, i32
  }
}

</mosaic_0001>

<sc_bundles>
// kernel: kernel.14.cloned.1.call-start
scs
__scs_entry_jumppad:
0x0: {  	(pc) =	sbr.rel $0x88, $3  }
0x1: {  	(tag) =	ssettag $0x0;
	lr =	simm.s32 $0x1  }
0x2: {  	[smem:$0x3F8D] =	sst lr;
	_ =	strace $0xD0000000  }
0x3: {  	_ = 	snop  }
0x4: {  	_ = 	snop  }
0x5: {  	_ = 	snop  }
0x6: {  	_ = 	snop  }
0x7: {  	_ = 	snop  }
__scs_overlays_trampoline_lowered:
0x8: {  	[smem:$0x3F9C] =	sst s0  }
0x9: {  	[smem:$0x3F9D] =	sst s1  }
0xa: {  	[smem:$0x3F9E] =	sst s2  }
0xb: {  	[smem:$0x3F9F] =	sst s3  }
0xc: {  	[smem:$0x3FA0] =	sst s4  }
0xd: {  	[smem:$0x3FA1] =	sst s5  }
0xe: {  	[smem:$0x3FA2] =	sst s6  }
0xf: {  	[smem:$0x3FA3] =	sst s7  }
0x10: {  	[smem:$0x3FA4] =	sst s8  }
0x11: {  	[smem:$0x3FA5] =	sst s9;
	s0 =	simm.s32 @!p0 $0x0  }
0x12: {  	s1 =	sld [smem:$0x3F8B];
	s0 =	simm.s32 @p0 $0x1  }
0x13: {  	[smem:$0x3FA6] =	sst s0;
	s0 =	simm.s32 @!p1 $0x0  }
0x14: {  	s2 =	sld [smem:$0x3F8A];
	s0 =	simm.s32 @p1 $0x1  }
0x15: {  	[smem:$0x3FA7] =	sst s0;
	s0 =	simm.s32 @!p2 $0x0  }
0x16: {  	s3 =	sld [smem:$0x3FDB];
	s0 =	simm.s32 @p2 $0x1  }
0x17: {  	s4 =	simm.s32 $0x1BF5;
	[smem:$0x3FA9] =	sst s0  }
0x18: {  	s0 =	sld [smem:$0x3F8C];
	_ =	swait.ge [sflag:s4], $0x0  }
0x19: {  	s7 =	sld [smem:$0x3F8D]  }
0x1a: {  	s8 =	sadd.s32 $0xFFFFE003, lr  }
0x1b: {  	s9 =	sadd.s32 $0xFFFFFEF7, lr;
	s5 =	simm.s32 $0xFFFFFFFF;
	p2 =	slt.u32 s8, $0xFFFFF086  }
0x1c: {  	p1 =	slt.u32 s9, $0xF7A;
	s5 =	simm.s32 @!p2 $0x0  }
0x1d: {  	s5 =	simm.s32 @p1 $0x1;
	p0 =	seq.s32 s7, s2  }
0x1e: {  	s7 =	smul.u32 @!p0 $0xF7A, s2;
	p2 =	seq.s32 @!p0 s5, $0x0  }
0x1f: {  	s9 =	smul.u32 $0xF7A, s1;
	s8 =	simm.s32 @!p0 $0x1BF5;
	p2 =	por !p2, p0  }
0x20: {  	[sflag:s8] =	ssyncset.s32 @!p0 $0xFFFFF086;
	s6 =	sadd.s32 @!p0 s3, s7;
	s7 =	simm.s32 @!p0 $0x108  }
0x21: {  	s3 =	sadd.s32 s3, s9;
	s6 =	sadd.s32 @!p0 $0x88, s6;
	s7 =	simm.s32 @p2 $0x1082  }
0x22: {  	[simem:s7], [sflag:s8] =	dma.local @!p0 [hbm:s6], $0xF7A  }
0x23: {  	s9 =	sor.u32 $0xD0000000, s2;
	s6 =	simm.s32 $0x108;
	_ =	swait.ge @!p0 [sflag:s8], $0x0  }
0x24: {  	s3 =	sadd.s32 $0x88, s3;
	s6 =	simm.s32 @!p1 $0x1082;
	[sflag:s4] =	ssyncset.s32 $0xFFFFF086  }
0x25: {  	[simem:s6], [sflag:s4] =	dma.local [hbm:s3], $0xF7A  }
0x26: {  	[smem:$0x3F8D] =	sst s1;
	(tag) =	ssettag s2;
	_ =	strace s9  }
0x27: {  	s1 =	sld [smem:$0x3F9D]  }
0x28: {  	s2 =	sld [smem:$0x3F9E]  }
0x29: {  	s4 =	sld [smem:$0x3FA0]  }
0x2a: {  	p0 =	seq.s32 s5, $0x0;
	s5 =	sld [smem:$0x3FA1]  }
0x2b: {  	s6 =	sld [smem:$0x3FA2]  }
0x2c: {  	s7 =	sld [smem:$0x3FA3]  }
0x2d: {  	s3 =	simm.s32 $0x108;
	s8 =	sld [smem:$0x3FA4]  }
0x2e: {  	s3 =	simm.s32 @!p0 $0x1082;
	s9 =	sld [smem:$0x3FA5]  }
0x2f: {  	lr =	sadd.s32 s0, s3;
	s0 =	sld [smem:$0x3F9C]  }
0x30: {  	s3 =	sld [smem:$0x3F9F]  }
0x31: {  	[smem:$0x3FA8] =	sst s10  }
0x32: {  	s10 =	sld [smem:$0x3FA6];
	_ =	sdelay $0x3  }
0x33: {  	p0 =	seq.s32 s10, $0x1;
	s10 =	sld [smem:$0x3FA8];
	_ =	sdelay $0x3  }
0x34: {  	[smem:$0x3FA8] =	sst s10  }
0x35: {  	s10 =	sld [smem:$0x3FA7];
	_ =	sdelay $0x3  }
0x36: {  	p1 =	seq.s32 s10, $0x1;
	s10 =	sld [smem:$0x3FA8];
	_ =	sdelay $0x3  }
0x37: {  	[smem:$0x3FA8] =	sst s10  }
0x38: {  	s10 =	sld [smem:$0x3FA9]  }
0x39: {  	_ = 	snop;
	(pc) =	sbr.ind lr, $3  }
0x3a: {  	_ = 	snop  }
0x3b: {  	_ = 	snop  }
0x3c: {  	p2 =	seq.s32 s10, $0x1;
	s10 =	sld [smem:$0x3FA8]  }
0x3d: {  	_ =	shalt  }
0x3e: {  	_ =	shalt  }
0x3f: {  	_ =	shalt  }
0x40: {  	_ =	shalt  }
0x41: {  	_ =	shalt  }
0x42: {  	_ =	shalt  }
0x43: {  	_ =	shalt  }
0x44: {  	_ =	shalt  }
0x45: {  	_ =	shalt  }
0x46: {  	_ =	shalt  }
0x47: {  	_ =	shalt  }
0x48: {  	_ =	shalt  }
0x49: {  	_ =	shalt  }
0x4a: {  	_ =	shalt  }
0x4b: {  	_ =	shalt  }
0x4c: {  	_ =	shalt  }
0x4d: {  	_ =	shalt  }
0x4e: {  	_ =	shalt  }
0x4f: {  	_ =	shalt  }
0x50: {  	_ =	shalt  }
0x51: {  	_ =	shalt  }
0x52: {  	_ =	shalt  }
0x53: {  	_ =	shalt  }
0x54: {  	_ =	shalt  }
0x55: {  	_ =	shalt  }
0x56: {  	_ =	shalt  }
0x57: {  	_ =	shalt  }
0x58: {  	_ =	shalt  }
0x59: {  	_ =	shalt  }
0x5a: {  	_ =	shalt  }
0x5b: {  	_ =	shalt  }
0x5c: {  	_ =	shalt  }
0x5d: {  	_ =	shalt  }
0x5e: {  	_ =	shalt  }
0x5f: {  	_ =	shalt  }
0x60: {  	_ =	shalt  }
0x61: {  	_ =	shalt  }
0x62: {  	_ =	shalt  }
0x63: {  	_ =	shalt  }
0x64: {  	_ =	shalt  }
0x65: {  	_ =	shalt  }
0x66: {  	_ =	shalt  }
0x67: {  	_ =	shalt  }
0x68: {  	_ =	shalt  }
0x69: {  	_ =	shalt  }
0x6a: {  	_ =	shalt  }
0x6b: {  	_ =	shalt  }
0x6c: {  	_ =	shalt  }
0x6d: {  	_ =	shalt  }
0x6e: {  	_ =	shalt  }
0x6f: {  	_ =	shalt  }
0x70: {  	_ =	shalt  }
0x71: {  	_ =	shalt  }
0x72: {  	_ =	shalt  }
0x73: {  	_ =	shalt  }
0x74: {  	_ =	shalt  }
0x75: {  	_ =	shalt  }
0x76: {  	_ =	shalt  }
0x77: {  	_ =	shalt  }
0x78: {  	_ =	shalt  }
0x79: {  	_ =	shalt  }
0x7a: {  	_ =	shalt  }
0x7b: {  	_ =	shalt  }
0x7c: {  	_ =	shalt  }
0x7d: {  	_ =	shalt  }
0x7e: {  	_ =	shalt  }
0x7f: {  	_ =	shalt  }
0x80: {  	_ =	shalt  }
0x81: {  	_ =	shalt  }
0x82: {  	_ =	shalt  }
0x83: {  	_ =	shalt  }
0x84: {  	_ =	shalt  }
0x85: {  	_ =	shalt  }
0x86: {  	_ =	shalt  }
0x87: {  	_ =	shalt  }
.Lfunc_end0:
.L_simem_size_0:
called_computation_lowered:
.L_overlay_start_0:
0x88: {  	s2 =	sld [smem:$0x3FD9]  }
0x89: {  	s3 =	sld [smem:$0x3FFE];
	_ =	sdelay $0x1  }
0x8a: {  	s1 =	srdreg.scid  }
0x8b: {  	s0 =	sand.u32 $0x1, s1  }
0x8c: {  	s16 =	sshll.u32 s0, $0xA;
	s2 =	sadd.s32 s3, s2  }
0x8d: {  	s2 =	sadd.s32 s2, s16  }
0x8e: {  	[smem:$0x3FB4] =	sst s2  }
0x8f: {  	_ = 	snop  }
0x90: {  	(tm) =	ssettm $0x1  }
0x91: {  	s17 =	sld [smem:$0x3FFB];
	_ =	sdelay $0x3  }
0x92: {  	_ =	strace s17  }
0x93: {  	s2 =	sld [smem:$0x3FFC];
	_ =	sdelay $0x3  }
0x94: {  	_ =	strace s2  }
0x95: {  	s2 =	sld [smem:$0x3FFD];
	_ =	sdelay $0x3  }
0x96: {  	_ =	strace s2  }
0x97: {  	_ =	strace $0x8FFFFFFF  }
0x98: {  	s18 =	sld [smem:$0x3FDB];
	_ =	sdelay $0x1  }
0x99: {  	s19 =	simm.s32 $_scs_section_size  }
0x9a: {  	s4 =	simm.s32 $_size__tile_overlayer_lowered;
	s5 =	simm.s32 $_tile_overlayer_lowered  }
0x9b: {  	s22 =	simm.s32 $0x1BFF;
	s21 =	sshll.u32 s5, $0x1;
	s2 =	sadd.s32 s19, s18  }
0x9c: {  	s6 =	simm.s32 $0x0;
	s20 =	sshll.u32 s4, $0x1;
	s4 =	sadd.s32 s21, s2  }
0x9d: {  	[timem:s6], [sflag:s22] =	dma.local [hbm:s4], s20  }
0x9e: {  	_ =	swait.ge [sflag:s22], s20  }
0x9f: {  	s3 =	ssub.s32 $0x0, s20;
	[sflag:s22] =	ssyncset.done $0x0  }
0xa0: {  	[sflag:s22] =	ssyncadd.s32 s3;
	_ =	sdelay $0x1  }
0xa1: {  	s23 =	simm.s32 $0x1B8B  }
0xa2: {  	_ =	swait.ge [sflag:s23], $0x1  }
0xa3: {  	[sflag:s23] =	ssyncset.done $0x0  }
0xa4: {  	s25 =	simm.s32 $0x1B8E;
	s24 =	sld [smem:$0x3FFE];
	[sflag:s23] =	ssyncadd.s32 $0xFFFFFFFF  }
0xa5: {  	s26 =	simm.s32 $execute0_lowered;
	[smem:$0x3FD2] =	sst s25  }
0xa6: {  	s4 =	sshll.u32 s26, $0x1;
	_ =	strace $0x80000046;
	[dreg:$0x1] =	wrdreg $0xFFFFFFFF  }
0xa7: {  	s28 =	simm.s32 $_size_execute0_lowered;
	s2 =	sadd.s32 s2, s4;
	[dreg:$0x0] =	wrdreg $0x0  }
0xa8: {  	s4 =	sshll.u32 s28, $0x1;
	[dreg:$0x2] =	wrdreg s2  }
0xa9: {  	[dreg:$0x3] =	wrdreg s4  }
0xaa: {  	[dreg:$0x4] =	wrdreg $0xC0  }
0xab: {  	_ =	task [dreg:s6], $0x5FFFF  }
0xac: {  	[dreg:$0x1] =	wrdreg $0xFFFFFFFF  }
0xad: {  	[dreg:$0x0] =	wrdreg $0x60  }
0xae: {  	[dreg:$0x2] =	wrdreg s24  }
0xaf: {  	[dreg:$0x3] =	wrdreg $0x9  }
0xb0: {  	_ =	task.clear_ibuf [dreg:s6], $0x4FFFF;
	_ =	strace $0x90000046  }
0xb1: {  	s29 =	simm.s32 $0x9;
	_ =	strace $0x80000048  }
0xb2: {  	_ =	swait.ge [sflag:s29], $0x1  }
0xb3: {  	[sflag:s29] =	ssyncadd.s32 $0xFFFFFFFF  }
0xb4: {  	_ =	strace $0x90000048  }
0xb5: {  	_ =	sfence  }
0xb6: {  	s30 =	sld [smem:$0x0];
	_ =	sdelay $0x2  }
0xb7: {  	s31 =	sshll.u32 s1, $0xD;
	s1 =	sshrl.u32 s1, $0x2  }
0xb8: {  	s3 =	sand.u32 $0x4000, s31;
	s1 =	sadd.s32 s1, s30  }
0xb9: {  	s0 =	sor.u32 s3, s0;
	s1 =	sshll.u32 s1, $0x11  }
0xba: {  	s0 =	sor.u32 s1, s0  }
0xbb: {  	s0 =	sadd.s32 $0x8F2B, s0  }
0xbc: {  	[sflag:s0] =	ssyncadd.remote.s32 $0x1  }
0xbd: {  	_ =	sfence.sel $0xFFFF  }
0xbe: {  	[dreg:$0x0] =	wrdreg $0xFFFFFFFF;
	(pc) =	sbr.abs _section_cstart, $3  }
0xbf: {  	[dreg:$0x1] =	wrdreg $0xFFFFFFFF  }
0xc0: {  	_ =	task.clear_ibuf [dreg:s6], $0x2FFFF;
	_ =	strace $0x9FFFFFFF  }
0xc1: {  	(tm) =	ssettm $0x7FFFFFFF  }
tec
execute0_lowered:
.L_overlay_start_1:
0x0: {  	(tag) =	ssettag $0x1  }
0x1: {  	s3 =	rddreg [dreg:$0x0];
	s2 =	srdreg.scid  }
0x2: {  	s0 =	rddreg [dreg:$0x1];
	s1 =	stileid.u32  }
0x3: {  	s9 =	simm.s32 $0x1;
	s10 =	simm.s32 $0x0;
	s4 =	sand.u32 $0x1, s2  }
0x4: {  	s2 =	simm.s32 $0x0;
	s5 =	sshll.u32 s1, $0xC;
	s30 =	sshll.u32 s1, $0x10  }
0x5: {  	s6 =	sshll.u32 s4, $0xB;
	[smem:$0x7FF] =	sst s2;
	s29 =	ssub.s32 $0x2, s4  }
0x6: {  	s31 =	sshll.u32 s4, $0xF;
	s5 =	sor.u32 s6, s5;
	s8 =	sshrl.u32 s29, $0x1  }
0x7: {  	_ =	strace $0x80000047;
	s5 =	sshrl.u32 s5, $0x3;
	s6 =	ssub.s32 s29, s8  }
0x8: {  	s8 =	simm.s32 $0x80;
	s7 =	sadd.s32 s5, s3;
	s5 =	sadd.s32 s30, s3  }
0x9: {  	s3 =	sadd.s32 $0x5E00, s3;
	s4 =	smax.u32 s6, $0x1;
	s5 =	sadd.s32 s31, s5  }
0xa: {  	s6 =	sadd.s32 $0x35E00, s7;
	s7 =	simm.s32 $0x2;
	s5 =	sadd.s32 $0x37E00, s5  }
.LBB2_1:
0xb: {  	s11 =	sadd.s32 $0x0, s6  }
0xc: {  	[tilespmem:s2], [sflag:$0x2] =	stream.linear.gather [hbm4b:s11+s2], $0x80, $0x38;
	[tilespmem:$0x4080] =	vst v63  }
0xd: {  	_ =	swait.ge [sflag:s7], $0x80  }
0xe: {  	[sflag:s7] =	ssyncset.done $0x0  }
0xf: {  	[sflag:s7] =	ssyncadd.s32 $0xFFFFFF80  }
0x10: {  	[tilespmem:s8], [sflag:$0x1] =	stream.indirect.gather [hbm4b:s3+s8], $0x80, s2, s8, $0xb8;
	[tilespmem:$0x4080] =	vst v63  }
0x11: {  	_ =	swait.ge [sflag:s9], $0x4000  }
0x12: {  	[sflag:s9] =	ssyncset.done $0x0  }
0x13: {  	[sflag:s9] =	ssyncadd.s32 $0xFFFFC000  }
0x14: {  	[hbm4b:s5+s2] =	stream.linear.scatter [tilespmem:s8], [sflag:$0x2], $0x4000, $0x38;
	[tilespmem:$0x4080] =	vst v63  }
0x15: {  	s12 =	simm.s32 $0x10;
	_ =	swait.ge [sflag:s7], $0x4000  }
0x16: {  	s13 =	simm.s32 $0x20;
	s11 =	sadd.s32 $0x800, s5;
	[sflag:s7] =	ssyncset.done $0x0  }
.LBB2_2:
0x17: {  	s14 =	sadd.s32 s12, s6  }
0x18: {  	[sflag:s7] =	ssyncadd.s32 $0xFFFFC000;
	s12 =	smov.u32 s13;
	s15 =	sadd.s32 $0x10, s13  }
0x19: {  	[tilespmem:s2], [sflag:$0x2] =	stream.linear.gather [hbm4b:s14+s2], $0x80, $0x38;
	[tilespmem:$0x4080] =	vst v63  }
0x1a: {  	p0 =	sne.s32 s13, $0xF0;
	_ =	swait.ge [sflag:s7], $0x80  }
0x1b: {  	[sflag:s7] =	ssyncset.done $0x0  }
0x1c: {  	[sflag:s7] =	ssyncadd.s32 $0xFFFFFF80  }
0x1d: {  	[tilespmem:s8], [sflag:$0x1] =	stream.indirect.gather [hbm4b:s3+s8], $0x80, s2, s8, $0xb8;
	[tilespmem:$0x4080] =	vst v63  }
0x1e: {  	_ =	swait.ge [sflag:s9], $0x4000  }
.Ltmp0:
0x1f: {  	[sflag:s9] =	ssyncset.done $0x0;
	(pc) =	sbr.rel @p0 .LBB2_2-.Ltmp0, $4  }
0x20: {  	[sflag:s9] =	ssyncadd.s32 $0xFFFFC000  }
0x21: {  	[hbm4b:s11+s2] =	stream.linear.scatter [tilespmem:s8], [sflag:$0x2], $0x4000, $0x38;
	[tilespmem:$0x4080] =	vst v63  }
0x22: {  	_ =	swait.ge [sflag:s7], $0x4000  }
0x23: {  	s13 =	smov.u32 s15;
	s11 =	sadd.s32 $0x800, s11;
	[sflag:s7] =	ssyncset.done $0x0  }
0x24: {  	s12 =	sadd.s32 s12, s6;
	[sflag:s7] =	ssyncadd.s32 $0xFFFFC000  }
0x25: {  	[tilespmem:s2], [sflag:$0x2] =	stream.linear.gather [hbm4b:s12+s2], $0x80, $0x38;
	[tilespmem:$0x4080] =	vst v63  }
0x26: {  	_ =	swait.ge [sflag:s7], $0x80  }
0x27: {  	[sflag:s7] =	ssyncset.done $0x0  }
0x28: {  	[sflag:s7] =	ssyncadd.s32 $0xFFFFFF80  }
0x29: {  	[tilespmem:s8], [sflag:$0x1] =	stream.indirect.gather [hbm4b:s3+s8], $0x80, s2, s8, $0xb8;
	[tilespmem:$0x4080] =	vst v63  }
0x2a: {  	s10 =	sadd.s32 $0x1, s10;
	_ =	swait.ge [sflag:s9], $0x4000  }
0x2b: {  	p0 =	sne.s32 s10, s4;
	[sflag:s9] =	ssyncset.done $0x0  }
.Ltmp1:
0x2c: {  	[sflag:s9] =	ssyncadd.s32 $0xFFFFC000;
	(pc) =	sbr.rel @p0 .LBB2_1-.Ltmp1, $4  }
0x2d: {  	[hbm4b:s11+s2] =	stream.linear.scatter [tilespmem:s8], [sflag:$0x2], $0x4000, $0x38;
	[tilespmem:$0x4080] =	vst v63  }
0x2e: {  	_ =	swait.ge [sflag:s7], $0x4000  }
0x2f: {  	[sflag:s7] =	ssyncset.done $0x0  }
0x30: {  	[sflag:s7] =	ssyncadd.s32 $0xFFFFC000  }
0x31: {  	_ =	sfence.sel $0x180000  }
0x32: {  	[bflag:$0x0] =	sbarrier.arrive $0xFFFF  }
0x33: {  	p0 =	sne.s32 s1, $0x0;
	_ =	strace $0x90000047  }
0x34: {  	s0 =	sadd.s32 @!p0 $0x100000, s0;
	[bflag:$0x2] =	sbarrier.arrive $0xFFFF  }
0x35: {  	[sflag:s0] =	ssyncadd.tile.s32 @!p0 $0x1;
	_ =	shalt  }
.Lfunc_end2:
_tile_overlayer_lowered:
.L_overlay_start_2:
0x36: {  	(tag) =	ssettag $0x2  }
0x37: {  	s0 =	rddreg [dreg:$0x0];
	s2 =	stileid.u32  }
0x38: {  	s1 =	rddreg [dreg:$0x1];
	p0 =	sne.s32 s2, $0x0  }
0x39: {  	s3 =	rddreg [dreg:$0x2];
	[bflag:$0x3] =	sbarrier.arrive $0xFFFF;
	s2 =	simm.s32 @!p0 $0x1C02  }
0x3a: {  	[timem:s3], [sflag:s2] =	dma.local @!p0 [hbm:s0], s1  }
0x3b: {  	s0 =	simm.s32 @!p0 $0x2  }
0x3c: {  	_ =	swait.ge @!p0 [sflag:s0], s1  }
0x3d: {  	s1 =	ssub.s32 @!p0 $0x0, s1;
	[sflag:s0] =	ssyncset.done @!p0 $0x0  }
0x3e: {  	[sflag:s0] =	ssyncadd.s32 @!p0 s1  }
0x3f: {  	[bflag:$0x3] =	sbarrier.arrive $0xFFFF  }
0x40: {  	_ =	shalt  }

// kernel: kernel.17.cloned.1.call-start
scs
__scs_entry_jumppad:
0x0: {  	(pc) =	sbr.rel $0x88, $3  }
0x1: {  	(tag) =	ssettag $0x0;
	lr =	simm.s32 $0x1  }
0x2: {  	[smem:$0x3F8D] =	sst lr;
	_ =	strace $0xD0000000  }
0x3: {  	_ = 	snop  }
0x4: {  	_ = 	snop  }
0x5: {  	_ = 	snop  }
0x6: {  	_ = 	snop  }
0x7: {  	_ = 	snop  }
__scs_overlays_trampoline_lowered:
0x8: {  	[smem:$0x3F9C] =	sst s0  }
0x9: {  	[smem:$0x3F9D] =	sst s1  }
0xa: {  	[smem:$0x3F9E] =	sst s2  }
0xb: {  	[smem:$0x3F9F] =	sst s3  }
0xc: {  	[smem:$0x3FA0] =	sst s4  }
0xd: {  	[smem:$0x3FA1] =	sst s5  }
0xe: {  	[smem:$0x3FA2] =	sst s6  }
0xf: {  	[smem:$0x3FA3] =	sst s7  }
0x10: {  	[smem:$0x3FA4] =	sst s8  }
0x11: {  	[smem:$0x3FA5] =	sst s9;
	s0 =	simm.s32 @!p0 $0x0  }
0x12: {  	s1 =	sld [smem:$0x3F8B];
	s0 =	simm.s32 @p0 $0x1  }
0x13: {  	[smem:$0x3FA6] =	sst s0;
	s0 =	simm.s32 @!p1 $0x0  }
0x14: {  	s2 =	sld [smem:$0x3F8A];
	s0 =	simm.s32 @p1 $0x1  }
0x15: {  	[smem:$0x3FA7] =	sst s0;
	s0 =	simm.s32 @!p2 $0x0  }
0x16: {  	s3 =	sld [smem:$0x3FDB];
	s0 =	simm.s32 @p2 $0x1  }
0x17: {  	s4 =	simm.s32 $0x1BF5;
	[smem:$0x3FA9] =	sst s0  }
0x18: {  	s0 =	sld [smem:$0x3F8C];
	_ =	swait.ge [sflag:s4], $0x0  }
0x19: {  	s7 =	sld [smem:$0x3F8D]  }
0x1a: {  	s8 =	sadd.s32 $0xFFFFE003, lr  }
0x1b: {  	s9 =	sadd.s32 $0xFFFFFEF7, lr;
	s5 =	simm.s32 $0xFFFFFFFF;
	p2 =	slt.u32 s8, $0xFFFFF086  }
0x1c: {  	p1 =	slt.u32 s9, $0xF7A;
	s5 =	simm.s32 @!p2 $0x0  }
0x1d: {  	s5 =	simm.s32 @p1 $0x1;
	p0 =	seq.s32 s7, s2  }
0x1e: {  	s7 =	smul.u32 @!p0 $0xF7A, s2;
	p2 =	seq.s32 @!p0 s5, $0x0  }
0x1f: {  	s9 =	smul.u32 $0xF7A, s1;
	s8 =	simm.s32 @!p0 $0x1BF5;
	p2 =	por !p2, p0  }
0x20: {  	[sflag:s8] =	ssyncset.s32 @!p0 $0xFFFFF086;
	s6 =	sadd.s32 @!p0 s3, s7;
	s7 =	simm.s32 @!p0 $0x108  }
0x21: {  	s3 =	sadd.s32 s3, s9;
	s6 =	sadd.s32 @!p0 $0x88, s6;
	s7 =	simm.s32 @p2 $0x1082  }
0x22: {  	[simem:s7], [sflag:s8] =	dma.local @!p0 [hbm:s6], $0xF7A  }
0x23: {  	s9 =	sor.u32 $0xD0000000, s2;
	s6 =	simm.s32 $0x108;
	_ =	swait.ge @!p0 [sflag:s8], $0x0  }
0x24: {  	s3 =	sadd.s32 $0x88, s3;
	s6 =	simm.s32 @!p1 $0x1082;
	[sflag:s4] =	ssyncset.s32 $0xFFFFF086  }
0x25: {  	[simem:s6], [sflag:s4] =	dma.local [hbm:s3], $0xF7A  }
0x26: {  	[smem:$0x3F8D] =	sst s1;
	(tag) =	ssettag s2;
	_ =	strace s9  }
0x27: {  	s1 =	sld [smem:$0x3F9D]  }
0x28: {  	s2 =	sld [smem:$0x3F9E]  }
0x29: {  	s4 =	sld [smem:$0x3FA0]  }
0x2a: {  	p0 =	seq.s32 s5, $0x0;
	s5 =	sld [smem:$0x3FA1]  }
0x2b: {  	s6 =	sld [smem:$0x3FA2]  }
0x2c: {  	s7 =	sld [smem:$0x3FA3]  }
0x2d: {  	s3 =	simm.s32 $0x108;
	s8 =	sld [smem:$0x3FA4]  }
0x2e: {  	s3 =	simm.s32 @!p0 $0x1082;
	s9 =	sld [smem:$0x3FA5]  }
0x2f: {  	lr =	sadd.s32 s0, s3;
	s0 =	sld [smem:$0x3F9C]  }
0x30: {  	s3 =	sld [smem:$0x3F9F]  }
0x31: {  	[smem:$0x3FA8] =	sst s10  }
0x32: {  	s10 =	sld [smem:$0x3FA6];
	_ =	sdelay $0x3  }
0x33: {  	p0 =	seq.s32 s10, $0x1;
	s10 =	sld [smem:$0x3FA8];
	_ =	sdelay $0x3  }
0x34: {  	[smem:$0x3FA8] =	sst s10  }
0x35: {  	s10 =	sld [smem:$0x3FA7];
	_ =	sdelay $0x3  }
0x36: {  	p1 =	seq.s32 s10, $0x1;
	s10 =	sld [smem:$0x3FA8];
	_ =	sdelay $0x3  }
0x37: {  	[smem:$0x3FA8] =	sst s10  }
0x38: {  	s10 =	sld [smem:$0x3FA9]  }
0x39: {  	_ = 	snop;
	(pc) =	sbr.ind lr, $3  }
0x3a: {  	_ = 	snop  }
0x3b: {  	_ = 	snop  }
0x3c: {  	p2 =	seq.s32 s10, $0x1;
	s10 =	sld [smem:$0x3FA8]  }
0x3d: {  	_ =	shalt  }
0x3e: {  	_ =	shalt  }
0x3f: {  	_ =	shalt  }
0x40: {  	_ =	shalt  }
0x41: {  	_ =	shalt  }
0x42: {  	_ =	shalt  }
0x43: {  	_ =	shalt  }
0x44: {  	_ =	shalt  }
0x45: {  	_ =	shalt  }
0x46: {  	_ =	shalt  }
0x47: {  	_ =	shalt  }
0x48: {  	_ =	shalt  }
0x49: {  	_ =	shalt  }
0x4a: {  	_ =	shalt  }
0x4b: {  	_ =	shalt  }
0x4c: {  	_ =	shalt  }
0x4d: {  	_ =	shalt  }
0x4e: {  	_ =	shalt  }
0x4f: {  	_ =	shalt  }
0x50: {  	_ =	shalt  }
0x51: {  	_ =	shalt  }
0x52: {  	_ =	shalt  }
0x53: {  	_ =	shalt  }
0x54: {  	_ =	shalt  }
0x55: {  	_ =	shalt  }
0x56: {  	_ =	shalt  }
0x57: {  	_ =	shalt  }
0x58: {  	_ =	shalt  }
0x59: {  	_ =	shalt  }
0x5a: {  	_ =	shalt  }
0x5b: {  	_ =	shalt  }
0x5c: {  	_ =	shalt  }
0x5d: {  	_ =	shalt  }
0x5e: {  	_ =	shalt  }
0x5f: {  	_ =	shalt  }
0x60: {  	_ =	shalt  }
0x61: {  	_ =	shalt  }
0x62: {  	_ =	shalt  }
0x63: {  	_ =	shalt  }
0x64: {  	_ =	shalt  }
0x65: {  	_ =	shalt  }
0x66: {  	_ =	shalt  }
0x67: {  	_ =	shalt  }
0x68: {  	_ =	shalt  }
0x69: {  	_ =	shalt  }
0x6a: {  	_ =	shalt  }
0x6b: {  	_ =	shalt  }
0x6c: {  	_ =	shalt  }
0x6d: {  	_ =	shalt  }
0x6e: {  	_ =	shalt  }
0x6f: {  	_ =	shalt  }
0x70: {  	_ =	shalt  }
0x71: {  	_ =	shalt  }
0x72: {  	_ =	shalt  }
0x73: {  	_ =	shalt  }
0x74: {  	_ =	shalt  }
0x75: {  	_ =	shalt  }
0x76: {  	_ =	shalt  }
0x77: {  	_ =	shalt  }
0x78: {  	_ =	shalt  }
0x79: {  	_ =	shalt  }
0x7a: {  	_ =	shalt  }
0x7b: {  	_ =	shalt  }
0x7c: {  	_ =	shalt  }
0x7d: {  	_ =	shalt  }
0x7e: {  	_ =	shalt  }
0x7f: {  	_ =	shalt  }
0x80: {  	_ =	shalt  }
0x81: {  	_ =	shalt  }
0x82: {  	_ =	shalt  }
0x83: {  	_ =	shalt  }
0x84: {  	_ =	shalt  }
0x85: {  	_ =	shalt  }
0x86: {  	_ =	shalt  }
0x87: {  	_ =	shalt  }
.Lfunc_end0:
.L_simem_size_0:
called_computation.1_lowered:
.L_overlay_start_0:
0x88: {  	s2 =	sld [smem:$0x3FD9]  }
0x89: {  	s3 =	sld [smem:$0x3FFE];
	_ =	sdelay $0x1  }
0x8a: {  	s1 =	srdreg.scid  }
0x8b: {  	s0 =	sand.u32 $0x1, s1  }
0x8c: {  	s17 =	sshll.u32 s0, $0xA;
	s2 =	sadd.s32 s3, s2  }
0x8d: {  	s2 =	sadd.s32 s2, s17  }
0x8e: {  	[smem:$0x3FB4] =	sst s2  }
0x8f: {  	_ = 	snop  }
0x90: {  	(tm) =	ssettm $0x1  }
0x91: {  	s18 =	sld [smem:$0x3FFB];
	_ =	sdelay $0x3  }
0x92: {  	_ =	strace s18  }
0x93: {  	s2 =	sld [smem:$0x3FFC];
	_ =	sdelay $0x3  }
0x94: {  	_ =	strace s2  }
0x95: {  	s2 =	sld [smem:$0x3FFD];
	_ =	sdelay $0x3  }
0x96: {  	_ =	strace s2  }
0x97: {  	_ =	strace $0x8FFFFFFF  }
0x98: {  	s19 =	sld [smem:$0x3FDB];
	_ =	sdelay $0x1  }
0x99: {  	s20 =	simm.s32 $_scs_section_size  }
0x9a: {  	s4 =	simm.s32 $_size__tile_overlayer_lowered;
	s5 =	simm.s32 $_tile_overlayer_lowered  }
0x9b: {  	s6 =	simm.s32 $0x1BFF;
	s21 =	sshll.u32 s5, $0x1;
	s3 =	sadd.s32 s20, s19  }
0x9c: {  	s22 =	simm.s32 $0x0;
	s4 =	sshll.u32 s4, $0x1;
	s5 =	sadd.s32 s21, s3  }
0x9d: {  	[timem:s22], [sflag:s6] =	dma.local [hbm:s5], s4  }
0x9e: {  	_ =	swait.ge [sflag:s6], s4  }
0x9f: {  	s4 =	ssub.s32 $0x0, s4;
	[sflag:s6] =	ssyncset.done $0x0  }
0xa0: {  	[sflag:s6] =	ssyncadd.s32 s4;
	_ =	sdelay $0x1  }
0xa1: {  	s23 =	simm.s32 $0x1B8B  }
0xa2: {  	_ =	swait.ge [sflag:s23], $0x1  }
0xa3: {  	[sflag:s23] =	ssyncset.done $0x0  }
0xa4: {  	[sflag:s23] =	ssyncadd.s32 $0xFFFFFFFF  }
0xa5: {  	s4 =	sld [smem:$0x0]  }
0xa6: {  	s5 =	sand.u32 $0xFFFFFFFE, s1  }
0xa7: {  	p0 =	sne.s32 s1, s5  }
0xa8: {  	s5 =	sshll.u32 @p0 s5, $0xE  }
0xa9: {  	s5 =	sadd.s32 @p0 $0x11B8D, s5;
	s6 =	sshll.u32 @p0 s4, $0x11  }
0xaa: {  	s5 =	sor.u32 @p0 s6, s5  }
0xab: {  	[sflag:s5] =	ssyncadd.remote.s32 @p0 $0x1;
	_ =	sdelay $0x1  }
0xac: {  	s5 =	simm.s32 @p0 $0x1B8D  }
0xad: {  	_ =	swait.eq @p0 [sflag:s5], $0x1  }
0xae: {  	[sflag:s5] =	ssyncadd.s32 @p0 $0xFFFFFFFF  }
0xaf: {  	s6 =	sshll.u32 @!p0 s1, $0xE  }
0xb0: {  	s6 =	sor.u32 @!p0 $0x4000, s6;
	s5 =	simm.s32 @!p0 $0x1B8D  }
0xb1: {  	s4 =	sshll.u32 @!p0 s4, $0x11;
	s6 =	sadd.s32 @!p0 $0x11B8D, s6;
	_ =	swait.eq @!p0 [sflag:s5], $0x1  }
0xb2: {  	s4 =	sor.u32 @!p0 s4, s6;
	[sflag:s5] =	ssyncadd.s32 @!p0 $0xFFFFFFFF  }
0xb3: {  	s25 =	simm.s32 $0x1B8E;
	s24 =	sld [smem:$0x3FFE];
	[sflag:s4] =	ssyncadd.remote.s32 @!p0 $0x1  }
0xb4: {  	s26 =	simm.s32 $execute0_lowered;
	[smem:$0x3FD2] =	sst s25  }
0xb5: {  	s5 =	sshll.u32 s26, $0x1;
	_ =	strace $0x80000049;
	[dreg:$0x1] =	wrdreg $0xFFFFFFFF  }
0xb6: {  	s28 =	simm.s32 $_size_execute0_lowered;
	s3 =	sadd.s32 s3, s5;
	[dreg:$0x0] =	wrdreg $0x0  }
0xb7: {  	s5 =	sshll.u32 s28, $0x1;
	[dreg:$0x2] =	wrdreg s3  }
0xb8: {  	[dreg:$0x3] =	wrdreg s5  }
0xb9: {  	[dreg:$0x4] =	wrdreg $0xC0  }
0xba: {  	_ =	task [dreg:s22], $0x5FFFF  }
0xbb: {  	[dreg:$0x1] =	wrdreg $0xFFFFFFFF  }
0xbc: {  	[dreg:$0x0] =	wrdreg $0x60  }
0xbd: {  	[dreg:$0x2] =	wrdreg s24  }
0xbe: {  	[dreg:$0x3] =	wrdreg $0xA  }
0xbf: {  	_ =	task.clear_ibuf [dreg:s22], $0x4FFFF;
	_ =	strace $0x90000049  }
0xc0: {  	s29 =	simm.s32 $0xA;
	_ =	strace $0x8000004B  }
0xc1: {  	_ =	swait.ge [sflag:s29], $0x1  }
0xc2: {  	[sflag:s29] =	ssyncadd.s32 $0xFFFFFFFF  }
0xc3: {  	_ =	strace $0x9000004B  }
0xc4: {  	_ =	sfence  }
0xc5: {  	s30 =	sld [smem:$0x0];
	_ =	sdelay $0x2  }
0xc6: {  	s31 =	sshll.u32 s1, $0xD;
	s1 =	sshrl.u32 s1, $0x2  }
0xc7: {  	s4 =	sand.u32 $0x4000, s31;
	s1 =	sadd.s32 s1, s30  }
0xc8: {  	s0 =	sor.u32 s4, s0;
	s1 =	sshll.u32 s1, $0x11  }
0xc9: {  	s0 =	sor.u32 s1, s0  }
0xca: {  	s0 =	sadd.s32 $0x8F2B, s0  }
0xcb: {  	[sflag:s0] =	ssyncadd.remote.s32 $0x1  }
0xcc: {  	_ =	sfence.sel $0xFFFF  }
0xcd: {  	[dreg:$0x0] =	wrdreg $0xFFFFFFFF;
	(pc) =	sbr.abs _section_cstart, $3  }
0xce: {  	[dreg:$0x1] =	wrdreg $0xFFFFFFFF  }
0xcf: {  	_ =	task.clear_ibuf [dreg:s22], $0x2FFFF;
	_ =	strace $0x9FFFFFFF  }
0xd0: {  	(tm) =	ssettm $0x7FFFFFFF  }
0xd1: {  	_ =	shalt  }
tec
execute0_lowered:
.L_overlay_start_1:
0x0: {  	(tag) =	ssettag $0x1  }
0x1: {  	s3 =	rddreg [dreg:$0x0];
	s2 =	srdreg.scid  }
0x2: {  	s0 =	rddreg [dreg:$0x1];
	s1 =	stileid.u32  }
0x3: {  	s9 =	simm.s32 $0x1;
	s10 =	simm.s32 $0x0;
	s4 =	sand.u32 $0x1, s2  }
0x4: {  	s2 =	simm.s32 $0x0;
	s5 =	sshll.u32 s1, $0xC;
	s30 =	sshll.u32 s1, $0x10  }
0x5: {  	s6 =	sshll.u32 s4, $0xB;
	[smem:$0x7FF] =	sst s2;
	s29 =	ssub.s32 $0x2, s4  }
0x6: {  	s31 =	sshll.u32 s4, $0xF;
	s5 =	sor.u32 s6, s5;
	s8 =	sshrl.u32 s29, $0x1  }
0x7: {  	_ =	strace $0x8000004A;
	s5 =	sshrl.u32 s5, $0x3;
	s6 =	ssub.s32 s29, s8  }
0x8: {  	s8 =	simm.s32 $0x80;
	s7 =	sadd.s32 s5, s3;
	s5 =	sadd.s32 s30, s3  }
0x9: {  	s3 =	sadd.s32 $0x137E00, s3;
	s4 =	smax.u32 s6, $0x1;
	s5 =	sadd.s32 s31, s5  }
0xa: {  	s6 =	sadd.s32 $0x147E00, s7;
	s7 =	simm.s32 $0x2;
	s5 =	sadd.s32 $0x149E00, s5  }
.LBB2_1:
0xb: {  	s11 =	sadd.s32 $0x0, s6  }
0xc: {  	[tilespmem:s2], [sflag:$0x2] =	stream.linear.gather [hbm4b:s11+s2], $0x80, $0x38;
	[tilespmem:$0x4080] =	vst v63  }
0xd: {  	_ =	swait.ge [sflag:s7], $0x80  }
0xe: {  	[sflag:s7] =	ssyncset.done $0x0  }
0xf: {  	[sflag:s7] =	ssyncadd.s32 $0xFFFFFF80  }
0x10: {  	[tilespmem:s8], [sflag:$0x1] =	stream.indirect.gather [hbm4b:s3+s8], $0x80, s2, s8, $0xb8;
	[tilespmem:$0x4080] =	vst v63  }
0x11: {  	_ =	swait.ge [sflag:s9], $0x4000  }
0x12: {  	[sflag:s9] =	ssyncset.done $0x0  }
0x13: {  	[sflag:s9] =	ssyncadd.s32 $0xFFFFC000  }
0x14: {  	[hbm4b:s5+s2] =	stream.linear.scatter [tilespmem:s8], [sflag:$0x2], $0x4000, $0x38;
	[tilespmem:$0x4080] =	vst v63  }
0x15: {  	s12 =	simm.s32 $0x10;
	_ =	swait.ge [sflag:s7], $0x4000  }
0x16: {  	s13 =	simm.s32 $0x20;
	s11 =	sadd.s32 $0x800, s5;
	[sflag:s7] =	ssyncset.done $0x0  }
.LBB2_2:
0x17: {  	s14 =	sadd.s32 s12, s6  }
0x18: {  	[sflag:s7] =	ssyncadd.s32 $0xFFFFC000;
	s12 =	smov.u32 s13;
	s15 =	sadd.s32 $0x10, s13  }
0x19: {  	[tilespmem:s2], [sflag:$0x2] =	stream.linear.gather [hbm4b:s14+s2], $0x80, $0x38;
	[tilespmem:$0x4080] =	vst v63  }
0x1a: {  	p0 =	sne.s32 s13, $0xF0;
	_ =	swait.ge [sflag:s7], $0x80  }
0x1b: {  	[sflag:s7] =	ssyncset.done $0x0  }
0x1c: {  	[sflag:s7] =	ssyncadd.s32 $0xFFFFFF80  }
0x1d: {  	[tilespmem:s8], [sflag:$0x1] =	stream.indirect.gather [hbm4b:s3+s8], $0x80, s2, s8, $0xb8;
	[tilespmem:$0x4080] =	vst v63  }
0x1e: {  	_ =	swait.ge [sflag:s9], $0x4000  }
.Ltmp0:
0x1f: {  	[sflag:s9] =	ssyncset.done $0x0;
	(pc) =	sbr.rel @p0 .LBB2_2-.Ltmp0, $4  }
0x20: {  	[sflag:s9] =	ssyncadd.s32 $0xFFFFC000  }
0x21: {  	[hbm4b:s11+s2] =	stream.linear.scatter [tilespmem:s8], [sflag:$0x2], $0x4000, $0x38;
	[tilespmem:$0x4080] =	vst v63  }
0x22: {  	_ =	swait.ge [sflag:s7], $0x4000  }
0x23: {  	s13 =	smov.u32 s15;
	s11 =	sadd.s32 $0x800, s11;
	[sflag:s7] =	ssyncset.done $0x0  }
0x24: {  	s12 =	sadd.s32 s12, s6;
	[sflag:s7] =	ssyncadd.s32 $0xFFFFC000  }
0x25: {  	[tilespmem:s2], [sflag:$0x2] =	stream.linear.gather [hbm4b:s12+s2], $0x80, $0x38;
	[tilespmem:$0x4080] =	vst v63  }
0x26: {  	_ =	swait.ge [sflag:s7], $0x80  }
0x27: {  	[sflag:s7] =	ssyncset.done $0x0  }
0x28: {  	[sflag:s7] =	ssyncadd.s32 $0xFFFFFF80  }
0x29: {  	[tilespmem:s8], [sflag:$0x1] =	stream.indirect.gather [hbm4b:s3+s8], $0x80, s2, s8, $0xb8;
	[tilespmem:$0x4080] =	vst v63  }
0x2a: {  	s10 =	sadd.s32 $0x1, s10;
	_ =	swait.ge [sflag:s9], $0x4000  }
0x2b: {  	p0 =	sne.s32 s10, s4;
	[sflag:s9] =	ssyncset.done $0x0  }
.Ltmp1:
0x2c: {  	[sflag:s9] =	ssyncadd.s32 $0xFFFFC000;
	(pc) =	sbr.rel @p0 .LBB2_1-.Ltmp1, $4  }
0x2d: {  	[hbm4b:s11+s2] =	stream.linear.scatter [tilespmem:s8], [sflag:$0x2], $0x4000, $0x38;
	[tilespmem:$0x4080] =	vst v63  }
0x2e: {  	_ =	swait.ge [sflag:s7], $0x4000  }
0x2f: {  	[sflag:s7] =	ssyncset.done $0x0  }
0x30: {  	[sflag:s7] =	ssyncadd.s32 $0xFFFFC000  }
0x31: {  	_ =	sfence.sel $0x180000  }
0x32: {  	[bflag:$0x0] =	sbarrier.arrive $0xFFFF  }
0x33: {  	p0 =	sne.s32 s1, $0x0;
	_ =	strace $0x9000004A  }
0x34: {  	s0 =	sadd.s32 @!p0 $0x100000, s0;
	[bflag:$0x2] =	sbarrier.arrive $0xFFFF  }
0x35: {  	[sflag:s0] =	ssyncadd.tile.s32 @!p0 $0x1;
	_ =	shalt  }
.Lfunc_end2:
_tile_overlayer_lowered:
.L_overlay_start_2:
0x36: {  	(tag) =	ssettag $0x2  }
0x37: {  	s0 =	rddreg [dreg:$0x0];
	s2 =	stileid.u32  }
0x38: {  	s1 =	rddreg [dreg:$0x1];
	p0 =	sne.s32 s2, $0x0  }
0x39: {  	s3 =	rddreg [dreg:$0x2];
	[bflag:$0x3] =	sbarrier.arrive $0xFFFF;
	s2 =	simm.s32 @!p0 $0x1C02  }
0x3a: {  	[timem:s3], [sflag:s2] =	dma.local @!p0 [hbm:s0], s1  }
0x3b: {  	s0 =	simm.s32 @!p0 $0x2  }
0x3c: {  	_ =	swait.ge @!p0 [sflag:s0], s1  }
0x3d: {  	s1 =	ssub.s32 @!p0 $0x0, s1;
	[sflag:s0] =	ssyncset.done @!p0 $0x0  }
0x3e: {  	[sflag:s0] =	ssyncadd.s32 @!p0 s1  }
0x3f: {  	[bflag:$0x3] =	sbarrier.arrive $0xFFFF  }
0x40: {  	_ =	shalt  }

// kernel: kernel.20.cloned.1.call-start
scs
__scs_entry_jumppad:
0x0: {  	(pc) =	sbr.rel $0x88, $3  }
0x1: {  	(tag) =	ssettag $0x0;
	lr =	simm.s32 $0x1  }
0x2: {  	[smem:$0x3F8D] =	sst lr;
	_ =	strace $0xD0000000  }
0x3: {  	_ = 	snop  }
0x4: {  	_ = 	snop  }
0x5: {  	_ = 	snop  }
0x6: {  	_ = 	snop  }
0x7: {  	_ = 	snop  }
__scs_overlays_trampoline_lowered:
0x8: {  	[smem:$0x3F9C] =	sst s0  }
0x9: {  	[smem:$0x3F9D] =	sst s1  }
0xa: {  	[smem:$0x3F9E] =	sst s2  }
0xb: {  	[smem:$0x3F9F] =	sst s3  }
0xc: {  	[smem:$0x3FA0] =	sst s4  }
0xd: {  	[smem:$0x3FA1] =	sst s5  }
0xe: {  	[smem:$0x3FA2] =	sst s6  }
0xf: {  	[smem:$0x3FA3] =	sst s7  }
0x10: {  	[smem:$0x3FA4] =	sst s8  }
0x11: {  	[smem:$0x3FA5] =	sst s9;
	s0 =	simm.s32 @!p0 $0x0  }
0x12: {  	s1 =	sld [smem:$0x3F8B];
	s0 =	simm.s32 @p0 $0x1  }
0x13: {  	[smem:$0x3FA6] =	sst s0;
	s0 =	simm.s32 @!p1 $0x0  }
0x14: {  	s2 =	sld [smem:$0x3F8A];
	s0 =	simm.s32 @p1 $0x1  }
0x15: {  	[smem:$0x3FA7] =	sst s0;
	s0 =	simm.s32 @!p2 $0x0  }
0x16: {  	s3 =	sld [smem:$0x3FDB];
	s0 =	simm.s32 @p2 $0x1  }
0x17: {  	s4 =	simm.s32 $0x1BF5;
	[smem:$0x3FA9] =	sst s0  }
0x18: {  	s0 =	sld [smem:$0x3F8C];
	_ =	swait.ge [sflag:s4], $0x0  }
0x19: {  	s7 =	sld [smem:$0x3F8D]  }
0x1a: {  	s8 =	sadd.s32 $0xFFFFE003, lr  }
0x1b: {  	s9 =	sadd.s32 $0xFFFFFEF7, lr;
	s5 =	simm.s32 $0xFFFFFFFF;
	p2 =	slt.u32 s8, $0xFFFFF086  }
0x1c: {  	p1 =	slt.u32 s9, $0xF7A;
	s5 =	simm.s32 @!p2 $0x0  }
0x1d: {  	s5 =	simm.s32 @p1 $0x1;
	p0 =	seq.s32 s7, s2  }
0x1e: {  	s7 =	smul.u32 @!p0 $0xF7A, s2;
	p2 =	seq.s32 @!p0 s5, $0x0  }
0x1f: {  	s9 =	smul.u32 $0xF7A, s1;
	s8 =	simm.s32 @!p0 $0x1BF5;
	p2 =	por !p2, p0  }
0x20: {  	[sflag:s8] =	ssyncset.s32 @!p0 $0xFFFFF086;
	s6 =	sadd.s32 @!p0 s3, s7;
	s7 =	simm.s32 @!p0 $0x108  }
0x21: {  	s3 =	sadd.s32 s3, s9;
	s6 =	sadd.s32 @!p0 $0x88, s6;
	s7 =	simm.s32 @p2 $0x1082  }
0x22: {  	[simem:s7], [sflag:s8] =	dma.local @!p0 [hbm:s6], $0xF7A  }
0x23: {  	s9 =	sor.u32 $0xD0000000, s2;
	s6 =	simm.s32 $0x108;
	_ =	swait.ge @!p0 [sflag:s8], $0x0  }
0x24: {  	s3 =	sadd.s32 $0x88, s3;
	s6 =	simm.s32 @!p1 $0x1082;
	[sflag:s4] =	ssyncset.s32 $0xFFFFF086  }
0x25: {  	[simem:s6], [sflag:s4] =	dma.local [hbm:s3], $0xF7A  }
0x26: {  	[smem:$0x3F8D] =	sst s1;
	(tag) =	ssettag s2;
	_ =	strace s9  }
0x27: {  	s1 =	sld [smem:$0x3F9D]  }
0x28: {  	s2 =	sld [smem:$0x3F9E]  }
0x29: {  	s4 =	sld [smem:$0x3FA0]  }
0x2a: {  	p0 =	seq.s32 s5, $0x0;
	s5 =	sld [smem:$0x3FA1]  }
0x2b: {  	s6 =	sld [smem:$0x3FA2]  }
0x2c: {  	s7 =	sld [smem:$0x3FA3]  }
0x2d: {  	s3 =	simm.s32 $0x108;
	s8 =	sld [smem:$0x3FA4]  }
0x2e: {  	s3 =	simm.s32 @!p0 $0x1082;
	s9 =	sld [smem:$0x3FA5]  }
0x2f: {  	lr =	sadd.s32 s0, s3;
	s0 =	sld [smem:$0x3F9C]  }
0x30: {  	s3 =	sld [smem:$0x3F9F]  }
0x31: {  	[smem:$0x3FA8] =	sst s10  }
0x32: {  	s10 =	sld [smem:$0x3FA6];
	_ =	sdelay $0x3  }
0x33: {  	p0 =	seq.s32 s10, $0x1;
	s10 =	sld [smem:$0x3FA8];
	_ =	sdelay $0x3  }
0x34: {  	[smem:$0x3FA8] =	sst s10  }
0x35: {  	s10 =	sld [smem:$0x3FA7];
	_ =	sdelay $0x3  }
0x36: {  	p1 =	seq.s32 s10, $0x1;
	s10 =	sld [smem:$0x3FA8];
	_ =	sdelay $0x3  }
0x37: {  	[smem:$0x3FA8] =	sst s10  }
0x38: {  	s10 =	sld [smem:$0x3FA9]  }
0x39: {  	_ = 	snop;
	(pc) =	sbr.ind lr, $3  }
0x3a: {  	_ = 	snop  }
0x3b: {  	_ = 	snop  }
0x3c: {  	p2 =	seq.s32 s10, $0x1;
	s10 =	sld [smem:$0x3FA8]  }
0x3d: {  	_ =	shalt  }
0x3e: {  	_ =	shalt  }
0x3f: {  	_ =	shalt  }
0x40: {  	_ =	shalt  }
0x41: {  	_ =	shalt  }
0x42: {  	_ =	shalt  }
0x43: {  	_ =	shalt  }
0x44: {  	_ =	shalt  }
0x45: {  	_ =	shalt  }
0x46: {  	_ =	shalt  }
0x47: {  	_ =	shalt  }
0x48: {  	_ =	shalt  }
0x49: {  	_ =	shalt  }
0x4a: {  	_ =	shalt  }
0x4b: {  	_ =	shalt  }
0x4c: {  	_ =	shalt  }
0x4d: {  	_ =	shalt  }
0x4e: {  	_ =	shalt  }
0x4f: {  	_ =	shalt  }
0x50: {  	_ =	shalt  }
0x51: {  	_ =	shalt  }
0x52: {  	_ =	shalt  }
0x53: {  	_ =	shalt  }
0x54: {  	_ =	shalt  }
0x55: {  	_ =	shalt  }
0x56: {  	_ =	shalt  }
0x57: {  	_ =	shalt  }
0x58: {  	_ =	shalt  }
0x59: {  	_ =	shalt  }
0x5a: {  	_ =	shalt  }
0x5b: {  	_ =	shalt  }
0x5c: {  	_ =	shalt  }
0x5d: {  	_ =	shalt  }
0x5e: {  	_ =	shalt  }
0x5f: {  	_ =	shalt  }
0x60: {  	_ =	shalt  }
0x61: {  	_ =	shalt  }
0x62: {  	_ =	shalt  }
0x63: {  	_ =	shalt  }
0x64: {  	_ =	shalt  }
0x65: {  	_ =	shalt  }
0x66: {  	_ =	shalt  }
0x67: {  	_ =	shalt  }
0x68: {  	_ =	shalt  }
0x69: {  	_ =	shalt  }
0x6a: {  	_ =	shalt  }
0x6b: {  	_ =	shalt  }
0x6c: {  	_ =	shalt  }
0x6d: {  	_ =	shalt  }
0x6e: {  	_ =	shalt  }
0x6f: {  	_ =	shalt  }
0x70: {  	_ =	shalt  }
0x71: {  	_ =	shalt  }
0x72: {  	_ =	shalt  }
0x73: {  	_ =	shalt  }
0x74: {  	_ =	shalt  }
0x75: {  	_ =	shalt  }
0x76: {  	_ =	shalt  }
0x77: {  	_ =	shalt  }
0x78: {  	_ =	shalt  }
0x79: {  	_ =	shalt  }
0x7a: {  	_ =	shalt  }
0x7b: {  	_ =	shalt  }
0x7c: {  	_ =	shalt  }
0x7d: {  	_ =	shalt  }
0x7e: {  	_ =	shalt  }
0x7f: {  	_ =	shalt  }
0x80: {  	_ =	shalt  }
0x81: {  	_ =	shalt  }
0x82: {  	_ =	shalt  }
0x83: {  	_ =	shalt  }
0x84: {  	_ =	shalt  }
0x85: {  	_ =	shalt  }
0x86: {  	_ =	shalt  }
0x87: {  	_ =	shalt  }
.Lfunc_end0:
.L_simem_size_0:
called_computation.2_lowered:
.L_overlay_start_0:
0x88: {  	s2 =	sld [smem:$0x3FD9]  }
0x89: {  	s3 =	sld [smem:$0x3FFE];
	_ =	sdelay $0x1  }
0x8a: {  	s1 =	srdreg.scid  }
0x8b: {  	s0 =	sand.u32 $0x1, s1  }
0x8c: {  	s17 =	sshll.u32 s0, $0xA;
	s2 =	sadd.s32 s3, s2  }
0x8d: {  	s2 =	sadd.s32 s2, s17  }
0x8e: {  	[smem:$0x3FB4] =	sst s2  }
0x8f: {  	_ = 	snop  }
0x90: {  	(tm) =	ssettm $0x1  }
0x91: {  	s18 =	sld [smem:$0x3FFB];
	_ =	sdelay $0x3  }
0x92: {  	_ =	strace s18  }
0x93: {  	s2 =	sld [smem:$0x3FFC];
	_ =	sdelay $0x3  }
0x94: {  	_ =	strace s2  }
0x95: {  	s2 =	sld [smem:$0x3FFD];
	_ =	sdelay $0x3  }
0x96: {  	_ =	strace s2  }
0x97: {  	_ =	strace $0x8FFFFFFF  }
0x98: {  	s19 =	sld [smem:$0x3FDB];
	_ =	sdelay $0x1  }
0x99: {  	s20 =	simm.s32 $_scs_section_size  }
0x9a: {  	s4 =	simm.s32 $_size__tile_overlayer_lowered;
	s5 =	simm.s32 $_tile_overlayer_lowered  }
0x9b: {  	s6 =	simm.s32 $0x1BFF;
	s21 =	sshll.u32 s5, $0x1;
	s3 =	sadd.s32 s20, s19  }
0x9c: {  	s22 =	simm.s32 $0x0;
	s4 =	sshll.u32 s4, $0x1;
	s5 =	sadd.s32 s21, s3  }
0x9d: {  	[timem:s22], [sflag:s6] =	dma.local [hbm:s5], s4  }
0x9e: {  	_ =	swait.ge [sflag:s6], s4  }
0x9f: {  	s4 =	ssub.s32 $0x0, s4;
	[sflag:s6] =	ssyncset.done $0x0  }
0xa0: {  	[sflag:s6] =	ssyncadd.s32 s4;
	_ =	sdelay $0x1  }
0xa1: {  	s23 =	simm.s32 $0x1B8B  }
0xa2: {  	_ =	swait.ge [sflag:s23], $0x1  }
0xa3: {  	[sflag:s23] =	ssyncset.done $0x0  }
0xa4: {  	[sflag:s23] =	ssyncadd.s32 $0xFFFFFFFF  }
0xa5: {  	s4 =	sld [smem:$0x0]  }
0xa6: {  	s5 =	sand.u32 $0xFFFFFFFE, s1  }
0xa7: {  	p0 =	sne.s32 s1, s5  }
0xa8: {  	s5 =	sshll.u32 @p0 s5, $0xE  }
0xa9: {  	s5 =	sadd.s32 @p0 $0x11B8D, s5;
	s6 =	sshll.u32 @p0 s4, $0x11  }
0xaa: {  	s5 =	sor.u32 @p0 s6, s5  }
0xab: {  	[sflag:s5] =	ssyncadd.remote.s32 @p0 $0x1;
	_ =	sdelay $0x1  }
0xac: {  	s5 =	simm.s32 @p0 $0x1B8D  }
0xad: {  	_ =	swait.eq @p0 [sflag:s5], $0x1  }
0xae: {  	[sflag:s5] =	ssyncadd.s32 @p0 $0xFFFFFFFF  }
0xaf: {  	s6 =	sshll.u32 @!p0 s1, $0xE  }
0xb0: {  	s6 =	sor.u32 @!p0 $0x4000, s6;
	s5 =	simm.s32 @!p0 $0x1B8D  }
0xb1: {  	s4 =	sshll.u32 @!p0 s4, $0x11;
	s6 =	sadd.s32 @!p0 $0x11B8D, s6;
	_ =	swait.eq @!p0 [sflag:s5], $0x1  }
0xb2: {  	s4 =	sor.u32 @!p0 s4, s6;
	[sflag:s5] =	ssyncadd.s32 @!p0 $0xFFFFFFFF  }
0xb3: {  	s25 =	simm.s32 $0x1B8E;
	s24 =	sld [smem:$0x3FFE];
	[sflag:s4] =	ssyncadd.remote.s32 @!p0 $0x1  }
0xb4: {  	s26 =	simm.s32 $execute0_lowered;
	[smem:$0x3FD2] =	sst s25  }
0xb5: {  	s5 =	sshll.u32 s26, $0x1;
	_ =	strace $0x8000004C;
	[dreg:$0x1] =	wrdreg $0xFFFFFFFF  }
0xb6: {  	s28 =	simm.s32 $_size_execute0_lowered;
	s3 =	sadd.s32 s3, s5;
	[dreg:$0x0] =	wrdreg $0x0  }
0xb7: {  	s5 =	sshll.u32 s28, $0x1;
	[dreg:$0x2] =	wrdreg s3  }
0xb8: {  	[dreg:$0x3] =	wrdreg s5  }
0xb9: {  	[dreg:$0x4] =	wrdreg $0xC0  }
0xba: {  	_ =	task [dreg:s22], $0x5FFFF  }
0xbb: {  	[dreg:$0x1] =	wrdreg $0xFFFFFFFF  }
0xbc: {  	[dreg:$0x0] =	wrdreg $0x60  }
0xbd: {  	[dreg:$0x2] =	wrdreg s24  }
0xbe: {  	[dreg:$0x3] =	wrdreg $0xB  }
0xbf: {  	_ =	task.clear_ibuf [dreg:s22], $0x4FFFF;
	_ =	strace $0x9000004C  }
0xc0: {  	s29 =	simm.s32 $0xB;
	_ =	strace $0x8000004E  }
0xc1: {  	_ =	swait.ge [sflag:s29], $0x1  }
0xc2: {  	[sflag:s29] =	ssyncadd.s32 $0xFFFFFFFF  }
0xc3: {  	_ =	strace $0x9000004E  }
0xc4: {  	_ =	sfence  }
0xc5: {  	s30 =	sld [smem:$0x0];
	_ =	sdelay $0x2  }
0xc6: {  	s31 =	sshll.u32 s1, $0xD;
	s1 =	sshrl.u32 s1, $0x2  }
0xc7: {  	s4 =	sand.u32 $0x4000, s31;
	s1 =	sadd.s32 s1, s30  }
0xc8: {  	s0 =	sor.u32 s4, s0;
	s1 =	sshll.u32 s1, $0x11  }
0xc9: {  	s0 =	sor.u32 s1, s0  }
0xca: {  	s0 =	sadd.s32 $0x8F2B, s0  }
0xcb: {  	[sflag:s0] =	ssyncadd.remote.s32 $0x1  }
0xcc: {  	_ =	sfence.sel $0xFFFF  }
0xcd: {  	[dreg:$0x0] =	wrdreg $0xFFFFFFFF;
	(pc) =	sbr.abs _section_cstart, $3  }
0xce: {  	[dreg:$0x1] =	wrdreg $0xFFFFFFFF  }
0xcf: {  	_ =	task.clear_ibuf [dreg:s22], $0x2FFFF;
	_ =	strace $0x9FFFFFFF  }
0xd0: {  	(tm) =	ssettm $0x7FFFFFFF  }
0xd1: {  	_ =	shalt  }
tec
execute0_lowered:
.L_overlay_start_1:
0x0: {  	(tag) =	ssettag $0x1  }
0x1: {  	s3 =	rddreg [dreg:$0x0];
	s2 =	srdreg.scid  }
0x2: {  	s0 =	rddreg [dreg:$0x1];
	s1 =	stileid.u32  }
0x3: {  	s9 =	simm.s32 $0x1;
	s10 =	simm.s32 $0x0;
	s4 =	sand.u32 $0x1, s2  }
0x4: {  	s2 =	simm.s32 $0x0;
	s5 =	sshll.u32 s1, $0xC;
	s30 =	sshll.u32 s1, $0x10  }
0x5: {  	s6 =	sshll.u32 s4, $0xB;
	[smem:$0x7FF] =	sst s2;
	s29 =	ssub.s32 $0x2, s4  }
0x6: {  	s31 =	sshll.u32 s4, $0xF;
	s5 =	sor.u32 s6, s5;
	s8 =	sshrl.u32 s29, $0x1  }
0x7: {  	_ =	strace $0x8000004D;
	s5 =	sshrl.u32 s5, $0x3;
	s6 =	ssub.s32 s29, s8  }
0x8: {  	s8 =	simm.s32 $0x80;
	s7 =	sadd.s32 s5, s3;
	s5 =	sadd.s32 s30, s3  }
0x9: {  	s3 =	sadd.s32 $0x249E00, s3;
	s4 =	smax.u32 s6, $0x1;
	s5 =	sadd.s32 s31, s5  }
0xa: {  	s6 =	sadd.s32 $0x259E00, s7;
	s7 =	simm.s32 $0x2;
	s5 =	sadd.s32 $0x25BE00, s5  }
.LBB2_1:
0xb: {  	s11 =	sadd.s32 $0x0, s6  }
0xc: {  	[tilespmem:s2], [sflag:$0x2] =	stream.linear.gather [hbm4b:s11+s2], $0x80, $0x38;
	[tilespmem:$0x4080] =	vst v63  }
0xd: {  	_ =	swait.ge [sflag:s7], $0x80  }
0xe: {  	[sflag:s7] =	ssyncset.done $0x0  }
0xf: {  	[sflag:s7] =	ssyncadd.s32 $0xFFFFFF80  }
0x10: {  	[tilespmem:s8], [sflag:$0x1] =	stream.indirect.gather [hbm4b:s3+s8], $0x80, s2, s8, $0xb8;
	[tilespmem:$0x4080] =	vst v63  }
0x11: {  	_ =	swait.ge [sflag:s9], $0x4000  }
0x12: {  	[sflag:s9] =	ssyncset.done $0x0  }
0x13: {  	[sflag:s9] =	ssyncadd.s32 $0xFFFFC000  }
0x14: {  	[hbm4b:s5+s2] =	stream.linear.scatter [tilespmem:s8], [sflag:$0x2], $0x4000, $0x38;
	[tilespmem:$0x4080] =	vst v63  }
0x15: {  	s12 =	simm.s32 $0x10;
	_ =	swait.ge [sflag:s7], $0x4000  }
0x16: {  	s13 =	simm.s32 $0x20;
	s11 =	sadd.s32 $0x800, s5;
	[sflag:s7] =	ssyncset.done $0x0  }
.LBB2_2:
0x17: {  	s14 =	sadd.s32 s12, s6  }
0x18: {  	[sflag:s7] =	ssyncadd.s32 $0xFFFFC000;
	s12 =	smov.u32 s13;
	s15 =	sadd.s32 $0x10, s13  }
0x19: {  	[tilespmem:s2], [sflag:$0x2] =	stream.linear.gather [hbm4b:s14+s2], $0x80, $0x38;
	[tilespmem:$0x4080] =	vst v63  }
0x1a: {  	p0 =	sne.s32 s13, $0xF0;
	_ =	swait.ge [sflag:s7], $0x80  }
0x1b: {  	[sflag:s7] =	ssyncset.done $0x0  }
0x1c: {  	[sflag:s7] =	ssyncadd.s32 $0xFFFFFF80  }
0x1d: {  	[tilespmem:s8], [sflag:$0x1] =	stream.indirect.gather [hbm4b:s3+s8], $0x80, s2, s8, $0xb8;
	[tilespmem:$0x4080] =	vst v63  }
0x1e: {  	_ =	swait.ge [sflag:s9], $0x4000  }
.Ltmp0:
0x1f: {  	[sflag:s9] =	ssyncset.done $0x0;
	(pc) =	sbr.rel @p0 .LBB2_2-.Ltmp0, $4  }
0x20: {  	[sflag:s9] =	ssyncadd.s32 $0xFFFFC000  }
0x21: {  	[hbm4b:s11+s2] =	stream.linear.scatter [tilespmem:s8], [sflag:$0x2], $0x4000, $0x38;
	[tilespmem:$0x4080] =	vst v63  }
0x22: {  	_ =	swait.ge [sflag:s7], $0x4000  }
0x23: {  	s13 =	smov.u32 s15;
	s11 =	sadd.s32 $0x800, s11;
	[sflag:s7] =	ssyncset.done $0x0  }
0x24: {  	s12 =	sadd.s32 s12, s6;
	[sflag:s7] =	ssyncadd.s32 $0xFFFFC000  }
0x25: {  	[tilespmem:s2], [sflag:$0x2] =	stream.linear.gather [hbm4b:s12+s2], $0x80, $0x38;
	[tilespmem:$0x4080] =	vst v63  }
0x26: {  	_ =	swait.ge [sflag:s7], $0x80  }
0x27: {  	[sflag:s7] =	ssyncset.done $0x0  }
0x28: {  	[sflag:s7] =	ssyncadd.s32 $0xFFFFFF80  }
0x29: {  	[tilespmem:s8], [sflag:$0x1] =	stream.indirect.gather [hbm4b:s3+s8], $0x80, s2, s8, $0xb8;
	[tilespmem:$0x4080] =	vst v63  }
0x2a: {  	s10 =	sadd.s32 $0x1, s10;
	_ =	swait.ge [sflag:s9], $0x4000  }
0x2b: {  	p0 =	sne.s32 s10, s4;
	[sflag:s9] =	ssyncset.done $0x0  }
.Ltmp1:
0x2c: {  	[sflag:s9] =	ssyncadd.s32 $0xFFFFC000;
	(pc) =	sbr.rel @p0 .LBB2_1-.Ltmp1, $4  }
0x2d: {  	[hbm4b:s11+s2] =	stream.linear.scatter [tilespmem:s8], [sflag:$0x2], $0x4000, $0x38;
	[tilespmem:$0x4080] =	vst v63  }
0x2e: {  	_ =	swait.ge [sflag:s7], $0x4000  }
0x2f: {  	[sflag:s7] =	ssyncset.done $0x0  }
0x30: {  	[sflag:s7] =	ssyncadd.s32 $0xFFFFC000  }
0x31: {  	_ =	sfence.sel $0x180000  }
0x32: {  	[bflag:$0x0] =	sbarrier.arrive $0xFFFF  }
0x33: {  	p0 =	sne.s32 s1, $0x0;
	_ =	strace $0x9000004D  }
0x34: {  	s0 =	sadd.s32 @!p0 $0x100000, s0;
	[bflag:$0x2] =	sbarrier.arrive $0xFFFF  }
0x35: {  	[sflag:s0] =	ssyncadd.tile.s32 @!p0 $0x1;
	_ =	shalt  }
.Lfunc_end2:
_tile_overlayer_lowered:
.L_overlay_start_2:
0x36: {  	(tag) =	ssettag $0x2  }
0x37: {  	s0 =	rddreg [dreg:$0x0];
	s2 =	stileid.u32  }
0x38: {  	s1 =	rddreg [dreg:$0x1];
	p0 =	sne.s32 s2, $0x0  }
0x39: {  	s3 =	rddreg [dreg:$0x2];
	[bflag:$0x3] =	sbarrier.arrive $0xFFFF;
	s2 =	simm.s32 @!p0 $0x1C02  }
0x3a: {  	[timem:s3], [sflag:s2] =	dma.local @!p0 [hbm:s0], s1  }
0x3b: {  	s0 =	simm.s32 @!p0 $0x2  }
0x3c: {  	_ =	swait.ge @!p0 [sflag:s0], s1  }
0x3d: {  	s1 =	ssub.s32 @!p0 $0x0, s1;
	[sflag:s0] =	ssyncset.done @!p0 $0x0  }
0x3e: {  	[sflag:s0] =	ssyncadd.s32 @!p0 s1  }
0x3f: {  	[bflag:$0x3] =	sbarrier.arrive $0xFFFF  }
0x40: {  	_ =	shalt  }

// kernel: kernel.23.cloned.1.call-start
scs
__scs_entry_jumppad:
0x0: {  	(pc) =	sbr.rel $0x88, $3  }
0x1: {  	(tag) =	ssettag $0x0;
	lr =	simm.s32 $0x1  }
0x2: {  	[smem:$0x3F8D] =	sst lr;
	_ =	strace $0xD0000000  }
0x3: {  	_ = 	snop  }
0x4: {  	_ = 	snop  }
0x5: {  	_ = 	snop  }
0x6: {  	_ = 	snop  }
0x7: {  	_ = 	snop  }
__scs_overlays_trampoline_lowered:
0x8: {  	[smem:$0x3F9C] =	sst s0  }
0x9: {  	[smem:$0x3F9D] =	sst s1  }
0xa: {  	[smem:$0x3F9E] =	sst s2  }
0xb: {  	[smem:$0x3F9F] =	sst s3  }
0xc: {  	[smem:$0x3FA0] =	sst s4  }
0xd: {  	[smem:$0x3FA1] =	sst s5  }
0xe: {  	[smem:$0x3FA2] =	sst s6  }
0xf: {  	[smem:$0x3FA3] =	sst s7  }
0x10: {  	[smem:$0x3FA4] =	sst s8  }
0x11: {  	[smem:$0x3FA5] =	sst s9;
	s0 =	simm.s32 @!p0 $0x0  }
0x12: {  	s1 =	sld [smem:$0x3F8B];
	s0 =	simm.s32 @p0 $0x1  }
0x13: {  	[smem:$0x3FA6] =	sst s0;
	s0 =	simm.s32 @!p1 $0x0  }
0x14: {  	s2 =	sld [smem:$0x3F8A];
	s0 =	simm.s32 @p1 $0x1  }
0x15: {  	[smem:$0x3FA7] =	sst s0;
	s0 =	simm.s32 @!p2 $0x0  }
0x16: {  	s3 =	sld [smem:$0x3FDB];
	s0 =	simm.s32 @p2 $0x1  }
0x17: {  	s4 =	simm.s32 $0x1BF5;
	[smem:$0x3FA9] =	sst s0  }
0x18: {  	s0 =	sld [smem:$0x3F8C];
	_ =	swait.ge [sflag:s4], $0x0  }
0x19: {  	s7 =	sld [smem:$0x3F8D]  }
0x1a: {  	s8 =	sadd.s32 $0xFFFFE003, lr  }
0x1b: {  	s9 =	sadd.s32 $0xFFFFFEF7, lr;
	s5 =	simm.s32 $0xFFFFFFFF;
	p2 =	slt.u32 s8, $0xFFFFF086  }
0x1c: {  	p1 =	slt.u32 s9, $0xF7A;
	s5 =	simm.s32 @!p2 $0x0  }
0x1d: {  	s5 =	simm.s32 @p1 $0x1;
	p0 =	seq.s32 s7, s2  }
0x1e: {  	s7 =	smul.u32 @!p0 $0xF7A, s2;
	p2 =	seq.s32 @!p0 s5, $0x0  }
0x1f: {  	s9 =	smul.u32 $0xF7A, s1;
	s8 =	simm.s32 @!p0 $0x1BF5;
	p2 =	por !p2, p0  }
0x20: {  	[sflag:s8] =	ssyncset.s32 @!p0 $0xFFFFF086;
	s6 =	sadd.s32 @!p0 s3, s7;
	s7 =	simm.s32 @!p0 $0x108  }
0x21: {  	s3 =	sadd.s32 s3, s9;
	s6 =	sadd.s32 @!p0 $0x88, s6;
	s7 =	simm.s32 @p2 $0x1082  }
0x22: {  	[simem:s7], [sflag:s8] =	dma.local @!p0 [hbm:s6], $0xF7A  }
0x23: {  	s9 =	sor.u32 $0xD0000000, s2;
	s6 =	simm.s32 $0x108;
	_ =	swait.ge @!p0 [sflag:s8], $0x0  }
0x24: {  	s3 =	sadd.s32 $0x88, s3;
	s6 =	simm.s32 @!p1 $0x1082;
	[sflag:s4] =	ssyncset.s32 $0xFFFFF086  }
0x25: {  	[simem:s6], [sflag:s4] =	dma.local [hbm:s3], $0xF7A  }
0x26: {  	[smem:$0x3F8D] =	sst s1;
	(tag) =	ssettag s2;
	_ =	strace s9  }
0x27: {  	s1 =	sld [smem:$0x3F9D]  }
0x28: {  	s2 =	sld [smem:$0x3F9E]  }
0x29: {  	s4 =	sld [smem:$0x3FA0]  }
0x2a: {  	p0 =	seq.s32 s5, $0x0;
	s5 =	sld [smem:$0x3FA1]  }
0x2b: {  	s6 =	sld [smem:$0x3FA2]  }
0x2c: {  	s7 =	sld [smem:$0x3FA3]  }
0x2d: {  	s3 =	simm.s32 $0x108;
	s8 =	sld [smem:$0x3FA4]  }
0x2e: {  	s3 =	simm.s32 @!p0 $0x1082;
	s9 =	sld [smem:$0x3FA5]  }
0x2f: {  	lr =	sadd.s32 s0, s3;
	s0 =	sld [smem:$0x3F9C]  }
0x30: {  	s3 =	sld [smem:$0x3F9F]  }
0x31: {  	[smem:$0x3FA8] =	sst s10  }
0x32: {  	s10 =	sld [smem:$0x3FA6];
	_ =	sdelay $0x3  }
0x33: {  	p0 =	seq.s32 s10, $0x1;
	s10 =	sld [smem:$0x3FA8];
	_ =	sdelay $0x3  }
0x34: {  	[smem:$0x3FA8] =	sst s10  }
0x35: {  	s10 =	sld [smem:$0x3FA7];
	_ =	sdelay $0x3  }
0x36: {  	p1 =	seq.s32 s10, $0x1;
	s10 =	sld [smem:$0x3FA8];
	_ =	sdelay $0x3  }
0x37: {  	[smem:$0x3FA8] =	sst s10  }
0x38: {  	s10 =	sld [smem:$0x3FA9]  }
0x39: {  	_ = 	snop;
	(pc) =	sbr.ind lr, $3  }
0x3a: {  	_ = 	snop  }
0x3b: {  	_ = 	snop  }
0x3c: {  	p2 =	seq.s32 s10, $0x1;
	s10 =	sld [smem:$0x3FA8]  }
0x3d: {  	_ =	shalt  }
0x3e: {  	_ =	shalt  }
0x3f: {  	_ =	shalt  }
0x40: {  	_ =	shalt  }
0x41: {  	_ =	shalt  }
0x42: {  	_ =	shalt  }
0x43: {  	_ =	shalt  }
0x44: {  	_ =	shalt  }
0x45: {  	_ =	shalt  }
0x46: {  	_ =	shalt  }
0x47: {  	_ =	shalt  }
0x48: {  	_ =	shalt  }
0x49: {  	_ =	shalt  }
0x4a: {  	_ =	shalt  }
0x4b: {  	_ =	shalt  }
0x4c: {  	_ =	shalt  }
0x4d: {  	_ =	shalt  }
0x4e: {  	_ =	shalt  }
0x4f: {  	_ =	shalt  }
0x50: {  	_ =	shalt  }
0x51: {  	_ =	shalt  }
0x52: {  	_ =	shalt  }
0x53: {  	_ =	shalt  }
0x54: {  	_ =	shalt  }
0x55: {  	_ =	shalt  }
0x56: {  	_ =	shalt  }
0x57: {  	_ =	shalt  }
0x58: {  	_ =	shalt  }
0x59: {  	_ =	shalt  }
0x5a: {  	_ =	shalt  }
0x5b: {  	_ =	shalt  }
0x5c: {  	_ =	shalt  }
0x5d: {  	_ =	shalt  }
0x5e: {  	_ =	shalt  }
0x5f: {  	_ =	shalt  }
0x60: {  	_ =	shalt  }
0x61: {  	_ =	shalt  }
0x62: {  	_ =	shalt  }
0x63: {  	_ =	shalt  }
0x64: {  	_ =	shalt  }
0x65: {  	_ =	shalt  }
0x66: {  	_ =	shalt  }
0x67: {  	_ =	shalt  }
0x68: {  	_ =	shalt  }
0x69: {  	_ =	shalt  }
0x6a: {  	_ =	shalt  }
0x6b: {  	_ =	shalt  }
0x6c: {  	_ =	shalt  }
0x6d: {  	_ =	shalt  }
0x6e: {  	_ =	shalt  }
0x6f: {  	_ =	shalt  }
0x70: {  	_ =	shalt  }
0x71: {  	_ =	shalt  }
0x72: {  	_ =	shalt  }
0x73: {  	_ =	shalt  }
0x74: {  	_ =	shalt  }
0x75: {  	_ =	shalt  }
0x76: {  	_ =	shalt  }
0x77: {  	_ =	shalt  }
0x78: {  	_ =	shalt  }
0x79: {  	_ =	shalt  }
0x7a: {  	_ =	shalt  }
0x7b: {  	_ =	shalt  }
0x7c: {  	_ =	shalt  }
0x7d: {  	_ =	shalt  }
0x7e: {  	_ =	shalt  }
0x7f: {  	_ =	shalt  }
0x80: {  	_ =	shalt  }
0x81: {  	_ =	shalt  }
0x82: {  	_ =	shalt  }
0x83: {  	_ =	shalt  }
0x84: {  	_ =	shalt  }
0x85: {  	_ =	shalt  }
0x86: {  	_ =	shalt  }
0x87: {  	_ =	shalt  }
.Lfunc_end0:
.L_simem_size_0:
called_computation.3_lowered:
.L_overlay_start_0:
0x88: {  	s2 =	sld [smem:$0x3FD9]  }
0x89: {  	s3 =	sld [smem:$0x3FFE];
	_ =	sdelay $0x1  }
0x8a: {  	s1 =	srdreg.scid  }
0x8b: {  	s0 =	sand.u32 $0x1, s1  }
0x8c: {  	s15 =	sshll.u32 s0, $0xA;
	s2 =	sadd.s32 s3, s2  }
0x8d: {  	s2 =	sadd.s32 s2, s15  }
0x8e: {  	[smem:$0x3FB4] =	sst s2  }
0x8f: {  	_ = 	snop  }
0x90: {  	s2 =	sld [smem:$0x3FD0];
	_ =	sdelay $0x2  }
0x91: {  	s4 =	simm.s32 $0xD;
	s16 =	simm.s32 $0x10  }
0x92: {  	[smem:s16], [sflag:s4] =	dma.local [hbm:s2], $0x1  }
0x93: {  	_ =	swait.eq [sflag:s4], $0x1  }
0x94: {  	[sflag:s4] =	ssyncset.done $0x0  }
0x95: {  	s17 =	sld [smem:$0x10];
	[sflag:s4] =	ssyncadd.s32 $0xFFFFFFFF  }
0x96: {  	s18 =	sld [smem:$0x11];
	(tm) =	ssettm $0x1  }
0x97: {  	s19 =	sld [smem:$0x3FFB];
	_ =	sdelay $0x3  }
0x98: {  	_ =	strace s19  }
0x99: {  	s2 =	sld [smem:$0x3FFC];
	_ =	sdelay $0x3  }
0x9a: {  	_ =	strace s2  }
0x9b: {  	s2 =	sld [smem:$0x3FFD];
	_ =	sdelay $0x3  }
0x9c: {  	_ =	strace s2  }
0x9d: {  	_ =	strace $0x8FFFFFFF  }
0x9e: {  	s20 =	sld [smem:$0x3FDB];
	_ =	sdelay $0x1  }
0x9f: {  	s5 =	simm.s32 $_scs_section_size  }
0xa0: {  	s6 =	simm.s32 $_size__tile_overlayer_lowered;
	s7 =	simm.s32 $_tile_overlayer_lowered  }
0xa1: {  	s8 =	simm.s32 $0x1BFF;
	s21 =	sshll.u32 s7, $0x1;
	s5 =	sadd.s32 s5, s20  }
0xa2: {  	s22 =	simm.s32 $0x0;
	s6 =	sshll.u32 s6, $0x1;
	s7 =	sadd.s32 s21, s5  }
0xa3: {  	[timem:s22], [sflag:s8] =	dma.local [hbm:s7], s6  }
0xa4: {  	_ =	swait.ge [sflag:s8], s6  }
0xa5: {  	s6 =	ssub.s32 $0x0, s6;
	[sflag:s8] =	ssyncset.done $0x0  }
0xa6: {  	[sflag:s8] =	ssyncadd.s32 s6;
	_ =	sdelay $0x1  }
0xa7: {  	s23 =	simm.s32 $0x1B8B  }
0xa8: {  	_ =	swait.ge [sflag:s23], $0x1  }
0xa9: {  	[sflag:s23] =	ssyncset.done $0x0  }
0xaa: {  	[sflag:s23] =	ssyncadd.s32 $0xFFFFFFFF  }
0xab: {  	s6 =	sld [smem:$0x0]  }
0xac: {  	s7 =	sand.u32 $0xFFFFFFFE, s1  }
0xad: {  	p0 =	sne.s32 s1, s7  }
0xae: {  	s7 =	sshll.u32 @p0 s7, $0xE  }
0xaf: {  	s7 =	sadd.s32 @p0 $0x11B8D, s7;
	s8 =	sshll.u32 @p0 s6, $0x11  }
0xb0: {  	s7 =	sor.u32 @p0 s8, s7  }
0xb1: {  	[sflag:s7] =	ssyncadd.remote.s32 @p0 $0x1;
	_ =	sdelay $0x1  }
0xb2: {  	s7 =	simm.s32 @p0 $0x1B8D  }
0xb3: {  	_ =	swait.eq @p0 [sflag:s7], $0x1  }
0xb4: {  	[sflag:s7] =	ssyncadd.s32 @p0 $0xFFFFFFFF  }
0xb5: {  	s8 =	sshll.u32 @!p0 s1, $0xE  }
0xb6: {  	s8 =	sor.u32 @!p0 $0x4000, s8;
	s7 =	simm.s32 @!p0 $0x1B8D  }
0xb7: {  	s6 =	sshll.u32 @!p0 s6, $0x11;
	s8 =	sadd.s32 @!p0 $0x11B8D, s8;
	_ =	swait.eq @!p0 [sflag:s7], $0x1  }
0xb8: {  	s6 =	sor.u32 @!p0 s6, s8;
	[sflag:s7] =	ssyncadd.s32 @!p0 $0xFFFFFFFF  }
0xb9: {  	s25 =	simm.s32 $0x1B8E;
	s24 =	sld [smem:$0x3FFE];
	[sflag:s6] =	ssyncadd.remote.s32 @!p0 $0x1  }
0xba: {  	s26 =	simm.s32 $execute0_lowered;
	[smem:$0x3FD2] =	sst s25  }
0xbb: {  	s7 =	sshll.u32 s26, $0x1;
	_ =	strace $0x8000004F;
	[dreg:$0x1] =	wrdreg $0xFFFFFFFF  }
0xbc: {  	s28 =	simm.s32 $_size_execute0_lowered;
	s5 =	sadd.s32 s5, s7;
	[dreg:$0x0] =	wrdreg $0x0  }
0xbd: {  	s7 =	sshll.u32 s28, $0x1;
	[dreg:$0x2] =	wrdreg s5  }
0xbe: {  	[dreg:$0x3] =	wrdreg s7  }
0xbf: {  	[dreg:$0x4] =	wrdreg $0xC0  }
0xc0: {  	_ =	task [dreg:s22], $0x5FFFF  }
0xc1: {  	[dreg:$0x1] =	wrdreg $0xFFFFFFFF  }
0xc2: {  	[dreg:$0x0] =	wrdreg $0x60  }
0xc3: {  	[dreg:$0x2] =	wrdreg s18  }
0xc4: {  	[dreg:$0x3] =	wrdreg s17  }
0xc5: {  	[dreg:$0x4] =	wrdreg s24  }
0xc6: {  	[dreg:$0x5] =	wrdreg $0xC  }
0xc7: {  	_ =	task.clear_ibuf [dreg:s22], $0x6FFFF;
	_ =	strace $0x9000004F  }
0xc8: {  	s29 =	simm.s32 $0xC;
	_ =	strace $0x80000051  }
0xc9: {  	_ =	swait.ge [sflag:s29], $0x1  }
0xca: {  	[sflag:s29] =	ssyncadd.s32 $0xFFFFFFFF  }
0xcb: {  	_ =	strace $0x90000051  }
0xcc: {  	_ =	sfence  }
0xcd: {  	s30 =	sld [smem:$0x0];
	_ =	sdelay $0x2  }
0xce: {  	s31 =	sshll.u32 s1, $0xD;
	s1 =	sshrl.u32 s1, $0x2  }
0xcf: {  	s4 =	sand.u32 $0x4000, s31;
	s1 =	sadd.s32 s1, s30  }
0xd0: {  	s0 =	sor.u32 s4, s0;
	s1 =	sshll.u32 s1, $0x11  }
0xd1: {  	s0 =	sor.u32 s1, s0  }
0xd2: {  	s0 =	sadd.s32 $0x8F2B, s0  }
0xd3: {  	[sflag:s0] =	ssyncadd.remote.s32 $0x1  }
0xd4: {  	_ =	sfence.sel $0xFFFF  }
0xd5: {  	[dreg:$0x0] =	wrdreg $0xFFFFFFFF;
	(pc) =	sbr.abs _section_cstart, $3  }
0xd6: {  	[dreg:$0x1] =	wrdreg $0xFFFFFFFF  }
0xd7: {  	_ =	task.clear_ibuf [dreg:s22], $0x2FFFF;
	_ =	strace $0x9FFFFFFF  }
0xd8: {  	(tm) =	ssettm $0x7FFFFFFF  }
0xd9: {  	_ =	shalt  }
tec
execute0_lowered:
.L_overlay_start_1:
0x0: {  	(tag) =	ssettag $0x1  }
0x1: {  	s6 =	rddreg [dreg:$0x0]  }
0x2: {  	s2 =	rddreg [dreg:$0x1]  }
0x3: {  	s4 =	rddreg [dreg:$0x2]  }
0x4: {  	s0 =	rddreg [dreg:$0x3]  }
0x5: {  	s3 =	simm.s32 $0x0;
	s1 =	stileid.u32;
	s5 =	srdreg.scid  }
0x6: {  	[smem:$0x7FF] =	sst s3;
	s7 =	sshll.u32 s1, $0x10;
	s5 =	sand.u32 $0x1, s5  }
0x7: {  	s9 =	sshll.u32 s1, $0xC;
	_ =	strace $0x80000050;
	s7 =	sadd.s32 s7, s4  }
0x8: {  	s29 =	ssub.s32 $0x2, s5;
	s10 =	sshll.u32 s5, $0xB;
	s5 =	sshll.u32 s5, $0xF  }
0x9: {  	s8 =	sshrl.u32 s29, $0x1;
	s30 =	sor.u32 s10, s9;
	s5 =	sadd.s32 s5, s7  }
0xa: {  	s7 =	simm.s32 $0x2;
	s9 =	simm.s32 $0x1;
	s10 =	simm.s32 $0x0  }
0xb: {  	s4 =	ssub.s32 s29, s8;
	s31 =	sshrl.u32 s30, $0x3;
	s5 =	sadd.s32 $0x35BE00, s5  }
0xc: {  	s8 =	simm.s32 $0x80;
	s4 =	smax.u32 s4, $0x1;
	s6 =	sadd.s32 s31, s6  }
.LBB2_1:
0xd: {  	s11 =	sadd.s32 $0x0, s6  }
0xe: {  	[tilespmem:s3], [sflag:$0x2] =	stream.linear.gather [hbm4b:s11+s3], $0x80, $0x38;
	[tilespmem:$0x4080] =	vst v63  }
0xf: {  	_ =	swait.ge [sflag:s7], $0x80  }
0x10: {  	[sflag:s7] =	ssyncset.done $0x0  }
0x11: {  	[sflag:s7] =	ssyncadd.s32 $0xFFFFFF80  }
0x12: {  	[tilespmem:s8], [sflag:$0x1] =	stream.indirect.gather [hbm4b:s2+s8], $0x80, s3, s8, $0xb8;
	[tilespmem:$0x4080] =	vst v63  }
0x13: {  	_ =	swait.ge [sflag:s9], $0x4000  }
0x14: {  	[sflag:s9] =	ssyncset.done $0x0  }
0x15: {  	[sflag:s9] =	ssyncadd.s32 $0xFFFFC000  }
0x16: {  	[hbm4b:s5+s3] =	stream.linear.scatter [tilespmem:s8], [sflag:$0x2], $0x4000, $0x38;
	[tilespmem:$0x4080] =	vst v63  }
0x17: {  	s12 =	simm.s32 $0x10;
	_ =	swait.ge [sflag:s7], $0x4000  }
0x18: {  	s13 =	simm.s32 $0x20;
	s11 =	sadd.s32 $0x800, s5;
	[sflag:s7] =	ssyncset.done $0x0  }
.LBB2_2:
0x19: {  	s14 =	sadd.s32 s12, s6  }
0x1a: {  	[sflag:s7] =	ssyncadd.s32 $0xFFFFC000;
	s12 =	smov.u32 s13;
	s15 =	sadd.s32 $0x10, s13  }
0x1b: {  	[tilespmem:s3], [sflag:$0x2] =	stream.linear.gather [hbm4b:s14+s3], $0x80, $0x38;
	[tilespmem:$0x4080] =	vst v63  }
0x1c: {  	p0 =	sne.s32 s13, $0xF0;
	_ =	swait.ge [sflag:s7], $0x80  }
0x1d: {  	[sflag:s7] =	ssyncset.done $0x0  }
0x1e: {  	[sflag:s7] =	ssyncadd.s32 $0xFFFFFF80  }
0x1f: {  	[tilespmem:s8], [sflag:$0x1] =	stream.indirect.gather [hbm4b:s2+s8], $0x80, s3, s8, $0xb8;
	[tilespmem:$0x4080] =	vst v63  }
0x20: {  	_ =	swait.ge [sflag:s9], $0x4000  }
.Ltmp0:
0x21: {  	[sflag:s9] =	ssyncset.done $0x0;
	(pc) =	sbr.rel @p0 .LBB2_2-.Ltmp0, $4  }
0x22: {  	[sflag:s9] =	ssyncadd.s32 $0xFFFFC000  }
0x23: {  	[hbm4b:s11+s3] =	stream.linear.scatter [tilespmem:s8], [sflag:$0x2], $0x4000, $0x38;
	[tilespmem:$0x4080] =	vst v63  }
0x24: {  	_ =	swait.ge [sflag:s7], $0x4000  }
0x25: {  	s13 =	smov.u32 s15;
	s11 =	sadd.s32 $0x800, s11;
	[sflag:s7] =	ssyncset.done $0x0  }
0x26: {  	s12 =	sadd.s32 s12, s6;
	[sflag:s7] =	ssyncadd.s32 $0xFFFFC000  }
0x27: {  	[tilespmem:s3], [sflag:$0x2] =	stream.linear.gather [hbm4b:s12+s3], $0x80, $0x38;
	[tilespmem:$0x4080] =	vst v63  }
0x28: {  	_ =	swait.ge [sflag:s7], $0x80  }
0x29: {  	[sflag:s7] =	ssyncset.done $0x0  }
0x2a: {  	[sflag:s7] =	ssyncadd.s32 $0xFFFFFF80  }
0x2b: {  	[tilespmem:s8], [sflag:$0x1] =	stream.indirect.gather [hbm4b:s2+s8], $0x80, s3, s8, $0xb8;
	[tilespmem:$0x4080] =	vst v63  }
0x2c: {  	s10 =	sadd.s32 $0x1, s10;
	_ =	swait.ge [sflag:s9], $0x4000  }
0x2d: {  	p0 =	sne.s32 s10, s4;
	[sflag:s9] =	ssyncset.done $0x0  }
.Ltmp1:
0x2e: {  	[sflag:s9] =	ssyncadd.s32 $0xFFFFC000;
	(pc) =	sbr.rel @p0 .LBB2_1-.Ltmp1, $4  }
0x2f: {  	[hbm4b:s11+s3] =	stream.linear.scatter [tilespmem:s8], [sflag:$0x2], $0x4000, $0x38;
	[tilespmem:$0x4080] =	vst v63  }
0x30: {  	_ =	swait.ge [sflag:s7], $0x4000  }
0x31: {  	[sflag:s7] =	ssyncset.done $0x0  }
0x32: {  	[sflag:s7] =	ssyncadd.s32 $0xFFFFC000  }
0x33: {  	_ =	sfence.sel $0x180000  }
0x34: {  	[bflag:$0x0] =	sbarrier.arrive $0xFFFF  }
0x35: {  	p0 =	sne.s32 s1, $0x0;
	_ =	strace $0x90000050  }
0x36: {  	s0 =	sadd.s32 @!p0 $0x100000, s0;
	[bflag:$0x2] =	sbarrier.arrive $0xFFFF  }
0x37: {  	[sflag:s0] =	ssyncadd.tile.s32 @!p0 $0x1;
	_ =	shalt  }
.Lfunc_end2:
_tile_overlayer_lowered:
.L_overlay_start_2:
0x38: {  	(tag) =	ssettag $0x2  }
0x39: {  	s0 =	rddreg [dreg:$0x0];
	s2 =	stileid.u32  }
0x3a: {  	s1 =	rddreg [dreg:$0x1];
	p0 =	sne.s32 s2, $0x0  }
0x3b: {  	s3 =	rddreg [dreg:$0x2];
	[bflag:$0x3] =	sbarrier.arrive $0xFFFF;
	s2 =	simm.s32 @!p0 $0x1C02  }
0x3c: {  	[timem:s3], [sflag:s2] =	dma.local @!p0 [hbm:s0], s1  }
0x3d: {  	s0 =	simm.s32 @!p0 $0x2  }
0x3e: {  	_ =	swait.ge @!p0 [sflag:s0], s1  }
0x3f: {  	s1 =	ssub.s32 @!p0 $0x0, s1;
	[sflag:s0] =	ssyncset.done @!p0 $0x0  }
0x40: {  	[sflag:s0] =	ssyncadd.s32 @!p0 s1  }
0x41: {  	[bflag:$0x3] =	sbarrier.arrive $0xFFFF  }
0x42: {  	_ =	shalt  }

</sc_bundles>
